<compile_context>
chip_gen: v7x
topology: tpu7x:2x2x1
jax: 0.10.2.dev20260603
libtpu: 0.0.44.dev20260713+nightly
codegen_flags: <defaults>
</compile_context>

<pallas_src>
import functools

import jax
import jax.numpy as jnp
from jax import lax
from jax.experimental import pallas as pl
from jax.experimental.pallas import tpu as pltpu
from jax.experimental.pallas import tpu_sc as plsc

EMB = 128
TOTAL_ROWS = 4096 * 200
CH = 128
NB = 4
GA = 2


def _make_sc_lookup(total_rows, emb):
    info = plsc.get_sparse_core_info()
    nc, ns = info.num_cores, info.num_subcores
    nw = nc * ns
    rows_per_w = total_rows // nw
    n_steps = rows_per_w // CH
    n_groups = n_steps // NB

    mesh = plsc.VectorSubcoreMesh(core_axis_name="c", subcore_axis_name="s")

    @functools.partial(
        pl.kernel,
        mesh=mesh,
        out_type=jax.ShapeDtypeStruct((total_rows, emb), jnp.float32),
        scratch_types=[
            pltpu.VMEM_SHARED((8, emb), jnp.float32),
            pltpu.VMEM((n_steps, CH), jnp.int32),
            pltpu.VMEM((NB, CH, emb), jnp.float32),
            pltpu.SemaphoreType.DMA,
        ] + [pltpu.SemaphoreType.DMA] * NB,
    )
    def k(idx_hbm, table_hbm, out_hbm, table_sh, idx_v, rows_v, gsem, *wsems):
        c = lax.axis_index("c")
        s = lax.axis_index("s")
        wid = s * nc + c
        base = wid * rows_per_w
        @pl.when(s == 0)
        def _():
            pltpu.sync_copy(table_hbm, table_sh.at[pl.ds(0, 3)])

        pltpu.sync_copy(idx_hbm.at[wid], idx_v)
        plsc.subcore_barrier()

        def gather(step, buf):
            pltpu.async_copy(table_sh.at[idx_v.at[step]], rows_v.at[buf], gsem)

        def wait_gather(buf):
            pltpu.make_async_copy(
                table_sh.at[idx_v.at[0]], rows_v.at[buf], gsem
            ).wait()

        def wait_write(buf):
            pltpu.make_async_copy(
                rows_v.at[buf], out_hbm.at[pl.ds(base, CH)], wsems[buf]
            ).wait()

        for p in range(GA):
            gather(p, p)

        def group(g, carry):
            for b in range(NB):
                st = g * NB + b

                nb = (b + GA) % NB

                @pl.when(st + GA < n_steps)
                def _():

                    @pl.when(st + GA >= NB)
                    def _():
                        wait_write(nb)

                    gather(st + GA, nb)

                wait_gather(b)
                pltpu.async_copy(
                    rows_v.at[b], out_hbm.at[pl.ds(base + st * CH, CH)], wsems[b]
                )
            return carry

        lax.fori_loop(0, n_groups, group, 0)
        for b in range(NB):
            wait_write(b)

    return k, nc, nw, rows_per_w, n_steps


_sc_lookup, _NC, _NW, _RPW, _NSTEPS = _make_sc_lookup(TOTAL_ROWS, EMB)


def kernel(indices, table):
    B, T = indices.shape
    flat = indices.reshape(B * T).astype(jnp.int32)
    out = _sc_lookup(flat.reshape(_NW, _NSTEPS, CH), table)
    return out.reshape(B, T, EMB)

# --- scband reference (transcript-rebuilt; emitter-appended) ---
"""Pipeline reference for scband-exercise-type-embedding-13400297964106 (READ-ONLY COPY).

The authoritative reference and input builder live on the scoring server;
editing this copy changes nothing except your own understanding.
"""

import jax, jax.numpy as jnp
import numpy as np

EMBEDDING_DIM = 128
NUM_EMBEDDINGS = 3
BATCH = 4096
HIST_LEN = 200

def setup_inputs(seed: int = 0) -> dict:
    key = jax.random.key(seed)
    k_idx, k_tab = jax.random.split(key)
    indices = jax.random.randint(k_idx, (BATCH, HIST_LEN), 0, NUM_EMBEDDINGS, dtype=jnp.int64 if jax.config.jax_enable_x64 else jnp.int32)
    table = jax.random.normal(k_tab, (NUM_EMBEDDINGS, EMBEDDING_DIM), dtype=jnp.float32)
    return {"indices": indices, "table": table}

def reference(indices, table):
    # nn.Embedding forward: row gather from the embedding table
    return jnp.take(table, indices, axis=0)

if __name__ == "__main__":
    import jax
    _d = setup_inputs()
    print(jax.jit(kernel)(*tuple(_d.values())))

</pallas_src>

<mosaic_0001>
#map = affine_map<(d0, d1) -> (0, 0, 0)>
#map1 = affine_map<(d0, d1) -> (0, 0)>
module attributes {stable_mosaic.version = 14 : i64} {
  func.func @k(%arg0: i32, %arg1: i32, %arg2: memref<32x200x128xi32, #tpu.memory_space<hbm>>, %arg3: memref<3x128xf32, #tpu.memory_space<hbm>>, %arg4: memref<819200x128xf32, #tpu.memory_space<hbm>>, %arg5: memref<8x128xf32, #tpu.memory_space<vmem_shared>>, %arg6: memref<200x128xi32, #tpu.memory_space<vmem>>, %arg7: memref<4x128x128xf32, #tpu.memory_space<vmem>>, %arg8: memref<!tpu.dma_semaphore, #tpu.memory_space<semaphore_mem>>, %arg9: memref<!tpu.dma_semaphore, #tpu.memory_space<semaphore_mem>>, %arg10: memref<!tpu.dma_semaphore, #tpu.memory_space<semaphore_mem>>, %arg11: memref<!tpu.dma_semaphore, #tpu.memory_space<semaphore_mem>>, %arg12: memref<!tpu.dma_semaphore, #tpu.memory_space<semaphore_mem>>) attributes {dimension_semantics = [#tpu.dimension_semantics<core_parallel>, #tpu.dimension_semantics<subcore_parallel>], iteration_bounds = array<i64: 2, 16>, scalar_prefetch = 0 : i64, scratch_operands = 8 : i64, tpu.core_type = #tpu.core_type<sc_vector_subcore>, window_params = [{transform_indices = #map}, {transform_indices = #map1}, {transform_indices = #map1}]} {
    %mul3A = arith.constant 2 : i32
    %mul3A_0 = arith.muli %arg1, %mul3A : i32
    %add3A = arith.addi %mul3A_0, %arg0 : i32
    %mul3A_1 = arith.constant 25600 : i32
    %mul3A_2 = arith.muli %add3A, %mul3A_1 : i32
    %eq3A = arith.constant 0 : i32
    %eq3A_3 = arith.cmpi eq, %arg1, %eq3A : i32
    %convert_element_type3A = arith.extui %eq3A_3 : i1 to i32
    %cond3A = arith.constant 0 : i32
    %cond3A_4 = arith.cmpi ne, %convert_element_type3A, %cond3A : i32
    scf.if %cond3A_4 {
      "tpu.region"() ({
        %run_scoped3A = tpu.sem_alloc : memref<!tpu.dma_semaphore, #tpu.memory_space<semaphore_mem>>
        %dma_start3A_84 = arith.constant 0 : i32
        %dma_start3A_85 = arith.constant 0 : i32
        %dma_start3A_86 = tpu.memref_slice %arg5[%dma_start3A_84, %dma_start3A_85] : memref<8x128xf32, #tpu.memory_space<vmem_shared>> -> memref<3x128xf32, #tpu.memory_space<vmem_shared>>
        tpu.enqueue_dma source(%arg3 : memref<3x128xf32, #tpu.memory_space<hbm>>) target(%dma_start3A_86 : memref<3x128xf32, #tpu.memory_space<vmem_shared>>) target_semaphore(%run_scoped3A : memref<!tpu.dma_semaphore, #tpu.memory_space<semaphore_mem>>)
        %dma_wait3A_87 = arith.constant 0 : i32
        %dma_wait3A_88 = arith.constant 0 : i32
        %dma_wait3A_89 = tpu.memref_slice %arg5[%dma_wait3A_87, %dma_wait3A_88] : memref<8x128xf32, #tpu.memory_space<vmem_shared>> -> memref<3x128xf32, #tpu.memory_space<vmem_shared>>
        tpu.wait_dma2 semaphore(%run_scoped3A : memref<!tpu.dma_semaphore, #tpu.memory_space<semaphore_mem>>) src(%arg3 : memref<3x128xf32, #tpu.memory_space<hbm>>) dst(%dma_wait3A_89 : memref<3x128xf32, #tpu.memory_space<vmem_shared>>)
        tpu.yield
      }) : () -> ()
    } else {
    }
    "tpu.region"() ({
      %run_scoped3A = tpu.sem_alloc : memref<!tpu.dma_semaphore, #tpu.memory_space<semaphore_mem>>
      %dma_start3A_84 = arith.constant 0 : i32
      %dma_start3A_85 = arith.constant 0 : i32
      %dma_start3A_86 = tpu.memref_slice %arg2[%add3A, %dma_start3A_84, %dma_start3A_85] : memref<32x200x128xi32, #tpu.memory_space<hbm>> -> memref<1x200x128xi32, #tpu.memory_space<hbm>>
      %dma_start3A_87 = tpu.memref_squeeze %dma_start3A_86 : memref<1x200x128xi32, #tpu.memory_space<hbm>> -> memref<200x128xi32, #tpu.memory_space<hbm>>
      %dma_start3A_88 = arith.constant 0 : i32
      %dma_start3A_89 = arith.constant 0 : i32
      %dma_start3A_90 = tpu.memref_slice %arg2[%add3A, %dma_start3A_88, %dma_start3A_89] : memref<32x200x128xi32, #tpu.memory_space<hbm>> -> memref<1x200x128xi32, #tpu.memory_space<hbm>>
      %dma_start3A_91 = tpu.memref_squeeze %dma_start3A_90 : memref<1x200x128xi32, #tpu.memory_space<hbm>> -> memref<200x128xi32, #tpu.memory_space<hbm>>
      tpu.enqueue_dma source(%dma_start3A_91 : memref<200x128xi32, #tpu.memory_space<hbm>>) target(%arg6 : memref<200x128xi32, #tpu.memory_space<vmem>>) target_semaphore(%run_scoped3A : memref<!tpu.dma_semaphore, #tpu.memory_space<semaphore_mem>>)
      %dma_wait3A_92 = arith.constant 0 : i32
      %dma_wait3A_93 = arith.constant 0 : i32
      %dma_wait3A_94 = tpu.memref_slice %arg2[%add3A, %dma_wait3A_92, %dma_wait3A_93] : memref<32x200x128xi32, #tpu.memory_space<hbm>> -> memref<1x200x128xi32, #tpu.memory_space<hbm>>
      %dma_wait3A_95 = tpu.memref_squeeze %dma_wait3A_94 : memref<1x200x128xi32, #tpu.memory_space<hbm>> -> memref<200x128xi32, #tpu.memory_space<hbm>>
      %dma_wait3A_96 = arith.constant 0 : i32
      %dma_wait3A_97 = arith.constant 0 : i32
      %dma_wait3A_98 = tpu.memref_slice %arg2[%add3A, %dma_wait3A_96, %dma_wait3A_97] : memref<32x200x128xi32, #tpu.memory_space<hbm>> -> memref<1x200x128xi32, #tpu.memory_space<hbm>>
      %dma_wait3A_99 = tpu.memref_squeeze %dma_wait3A_98 : memref<1x200x128xi32, #tpu.memory_space<hbm>> -> memref<200x128xi32, #tpu.memory_space<hbm>>
      tpu.wait_dma2 semaphore(%run_scoped3A : memref<!tpu.dma_semaphore, #tpu.memory_space<semaphore_mem>>) src(%dma_wait3A_99 : memref<200x128xi32, #tpu.memory_space<hbm>>) dst(%arg6 : memref<200x128xi32, #tpu.memory_space<vmem>>)
      tpu.yield
    }) : () -> ()
    %barrier3A = arith.constant 0 : index
    tpu.barrier barrier_id(%barrier3A)
    %dma_start3A = arith.constant 0 : i32
    %dma_start3A_5 = arith.constant 0 : i32
    %dma_start3A_6 = arith.constant 0 : i32
    %dma_start3A_7 = arith.constant 0 : i32
    %dma_start3A_8 = tpu.memref_slice %arg7[%dma_start3A_5, %dma_start3A_6, %dma_start3A_7] : memref<4x128x128xf32, #tpu.memory_space<vmem>> -> memref<1x128x128xf32, #tpu.memory_space<vmem>>
    %dma_start3A_9 = tpu.memref_squeeze %dma_start3A_8 : memref<1x128x128xf32, #tpu.memory_space<vmem>> -> memref<128x128xf32, #tpu.memory_space<vmem>>
    %dma_start3A_10 = arith.constant 0 : i32
    %dma_start3A_11 = tpu.memref_slice %arg6[%dma_start3A, %dma_start3A_10] : memref<200x128xi32, #tpu.memory_space<vmem>> -> memref<1x128xi32, #tpu.memory_space<vmem>>
    %dma_start3A_12 = tpu.memref_squeeze %dma_start3A_11 : memref<1x128xi32, #tpu.memory_space<vmem>> -> memref<128xi32, #tpu.memory_space<vmem>>
    %dma_start3A_13 = arith.constant 0 : i32
    %dma_start3A_14 = arith.constant 0 : i32
    %dma_start3A_15 = tpu.memref_slice %arg5[%dma_start3A_13, %dma_start3A_14] : memref<8x128xf32, #tpu.memory_space<vmem_shared>> -> memref<8x128xf32, #tpu.memory_space<vmem_shared>>
    tpu.enqueue_indirect_dma source(%dma_start3A_15 : memref<8x128xf32, #tpu.memory_space<vmem_shared>>) target(%dma_start3A_9 : memref<128x128xf32, #tpu.memory_space<vmem>>) offsets(%dma_start3A_12 : memref<128xi32, #tpu.memory_space<vmem>>) semaphore(%arg8 : memref<!tpu.dma_semaphore, #tpu.memory_space<semaphore_mem>>)
    %dma_start3A_16 = arith.constant 1 : i32
    %dma_start3A_17 = arith.constant 1 : i32
    %dma_start3A_18 = arith.constant 0 : i32
    %dma_start3A_19 = arith.constant 0 : i32
    %dma_start3A_20 = tpu.memref_slice %arg7[%dma_start3A_17, %dma_start3A_18, %dma_start3A_19] : memref<4x128x128xf32, #tpu.memory_space<vmem>> -> memref<1x128x128xf32, #tpu.memory_space<vmem>>
    %dma_start3A_21 = tpu.memref_squeeze %dma_start3A_20 : memref<1x128x128xf32, #tpu.memory_space<vmem>> -> memref<128x128xf32, #tpu.memory_space<vmem>>
    %dma_start3A_22 = arith.constant 0 : i32
    %dma_start3A_23 = tpu.memref_slice %arg6[%dma_start3A_16, %dma_start3A_22] : memref<200x128xi32, #tpu.memory_space<vmem>> -> memref<1x128xi32, #tpu.memory_space<vmem>>
    %dma_start3A_24 = tpu.memref_squeeze %dma_start3A_23 : memref<1x128xi32, #tpu.memory_space<vmem>> -> memref<128xi32, #tpu.memory_space<vmem>>
    %dma_start3A_25 = arith.constant 0 : i32
    %dma_start3A_26 = arith.constant 0 : i32
    %dma_start3A_27 = tpu.memref_slice %arg5[%dma_start3A_25, %dma_start3A_26] : memref<8x128xf32, #tpu.memory_space<vmem_shared>> -> memref<8x128xf32, #tpu.memory_space<vmem_shared>>
    tpu.enqueue_indirect_dma source(%dma_start3A_27 : memref<8x128xf32, #tpu.memory_space<vmem_shared>>) target(%dma_start3A_21 : memref<128x128xf32, #tpu.memory_space<vmem>>) offsets(%dma_start3A_24 : memref<128xi32, #tpu.memory_space<vmem>>) semaphore(%arg8 : memref<!tpu.dma_semaphore, #tpu.memory_space<semaphore_mem>>)
    %scan3A = arith.constant 0 : i32
    %scan3A_28 = arith.constant 0 : i32
    %scan3A_29 = arith.constant 50 : i32
    %scan3A_30 = arith.addi %scan3A_28, %scan3A_29 : i32
    %scan3A_31 = arith.constant 1 : i32
    scf.for %scan3A_84 = %scan3A_28 to %scan3A_30 step %scan3A_31  : i32 {
      %mul3A_85 = arith.constant 4 : i32
      %mul3A_86 = arith.muli %scan3A_84, %mul3A_85 : i32
      %add3A_87 = arith.constant 0 : i32
      %add3A_88 = arith.addi %mul3A_86, %add3A_87 : i32
      %add3A_89 = arith.constant 2 : i32
      %add3A_90 = arith.addi %add3A_88, %add3A_89 : i32
      %lt3A = arith.constant 200 : i32
      %lt3A_91 = arith.cmpi slt, %add3A_90, %lt3A : i32
      %convert_element_type3A_92 = arith.extui %lt3A_91 : i1 to i32
      %cond3A_93 = arith.constant 0 : i32
      %cond3A_94 = arith.cmpi ne, %convert_element_type3A_92, %cond3A_93 : i32
      scf.if %cond3A_94 {
        %add3A_240 = arith.constant 2 : i32
        %add3A_241 = arith.addi %add3A_88, %add3A_240 : i32
        %ge3A = arith.constant 4 : i32
        %ge3A_242 = arith.cmpi sge, %add3A_241, %ge3A : i32
        %convert_element_type3A_243 = arith.extui %ge3A_242 : i1 to i32
        %cond3A_244 = arith.constant 0 : i32
        %cond3A_245 = arith.cmpi ne, %convert_element_type3A_243, %cond3A_244 : i32
        scf.if %cond3A_245 {
          %dma_wait3A_259 = arith.constant 2 : i32
          %dma_wait3A_260 = arith.constant 0 : i32
          %dma_wait3A_261 = arith.constant 0 : i32
          %dma_wait3A_262 = tpu.memref_slice %arg7[%dma_wait3A_259, %dma_wait3A_260, %dma_wait3A_261] : memref<4x128x128xf32, #tpu.memory_space<vmem>> -> memref<1x128x128xf32, #tpu.memory_space<vmem>>
          %dma_wait3A_263 = tpu.memref_squeeze %dma_wait3A_262 : memref<1x128x128xf32, #tpu.memory_space<vmem>> -> memref<128x128xf32, #tpu.memory_space<vmem>>
          %dma_wait3A_264 = arith.constant 0 : i32
          %dma_wait3A_265 = tpu.memref_slice %arg4[%mul3A_2, %dma_wait3A_264] : memref<819200x128xf32, #tpu.memory_space<hbm>> -> memref<128x128xf32, #tpu.memory_space<hbm>>
          %dma_wait3A_266 = arith.constant 0 : i32
          %dma_wait3A_267 = tpu.memref_slice %arg4[%mul3A_2, %dma_wait3A_266] : memref<819200x128xf32, #tpu.memory_space<hbm>> -> memref<128x128xf32, #tpu.memory_space<hbm>>
          %dma_wait3A_268 = arith.constant 0 : i32
          %dma_wait3A_269 = arith.constant 0 : i32
          %dma_wait3A_270 = tpu.memref_slice %arg7[%dma_wait3A_259, %dma_wait3A_268, %dma_wait3A_269] : memref<4x128x128xf32, #tpu.memory_space<vmem>> -> memref<1x128x128xf32, #tpu.memory_space<vmem>>
          %dma_wait3A_271 = tpu.memref_squeeze %dma_wait3A_270 : memref<1x128x128xf32, #tpu.memory_space<vmem>> -> memref<128x128xf32, #tpu.memory_space<vmem>>
          tpu.wait_dma2 semaphore(%arg11 : memref<!tpu.dma_semaphore, #tpu.memory_space<semaphore_mem>>) src(%dma_wait3A_271 : memref<128x128xf32, #tpu.memory_space<vmem>>) dst(%dma_wait3A_267 : memref<128x128xf32, #tpu.memory_space<hbm>>)
        } else {
        }
        %add3A_246 = arith.constant 2 : i32
        %add3A_247 = arith.addi %add3A_88, %add3A_246 : i32
        %dma_start3A_248 = arith.constant 2 : i32
        %dma_start3A_249 = arith.constant 0 : i32
        %dma_start3A_250 = arith.constant 0 : i32
        %dma_start3A_251 = tpu.memref_slice %arg7[%dma_start3A_248, %dma_start3A_249, %dma_start3A_250] : memref<4x128x128xf32, #tpu.memory_space<vmem>> -> memref<1x128x128xf32, #tpu.memory_space<vmem>>
        %dma_start3A_252 = tpu.memref_squeeze %dma_start3A_251 : memref<1x128x128xf32, #tpu.memory_space<vmem>> -> memref<128x128xf32, #tpu.memory_space<vmem>>
        %dma_start3A_253 = arith.constant 0 : i32
        %dma_start3A_254 = tpu.memref_slice %arg6[%add3A_247, %dma_start3A_253] : memref<200x128xi32, #tpu.memory_space<vmem>> -> memref<1x128xi32, #tpu.memory_space<vmem>>
        %dma_start3A_255 = tpu.memref_squeeze %dma_start3A_254 : memref<1x128xi32, #tpu.memory_space<vmem>> -> memref<128xi32, #tpu.memory_space<vmem>>
        %dma_start3A_256 = arith.constant 0 : i32
        %dma_start3A_257 = arith.constant 0 : i32
        %dma_start3A_258 = tpu.memref_slice %arg5[%dma_start3A_256, %dma_start3A_257] : memref<8x128xf32, #tpu.memory_space<vmem_shared>> -> memref<8x128xf32, #tpu.memory_space<vmem_shared>>
        tpu.enqueue_indirect_dma source(%dma_start3A_258 : memref<8x128xf32, #tpu.memory_space<vmem_shared>>) target(%dma_start3A_252 : memref<128x128xf32, #tpu.memory_space<vmem>>) offsets(%dma_start3A_255 : memref<128xi32, #tpu.memory_space<vmem>>) semaphore(%arg8 : memref<!tpu.dma_semaphore, #tpu.memory_space<semaphore_mem>>)
      } else {
      }
      %dma_wait3A_95 = arith.constant 0 : i32
      %dma_wait3A_96 = arith.constant 0 : i32
      %dma_wait3A_97 = arith.constant 0 : i32
      %dma_wait3A_98 = arith.constant 0 : i32
      %dma_wait3A_99 = tpu.memref_slice %arg7[%dma_wait3A_96, %dma_wait3A_97, %dma_wait3A_98] : memref<4x128x128xf32, #tpu.memory_space<vmem>> -> memref<1x128x128xf32, #tpu.memory_space<vmem>>
      %dma_wait3A_100 = tpu.memref_squeeze %dma_wait3A_99 : memref<1x128x128xf32, #tpu.memory_space<vmem>> -> memref<128x128xf32, #tpu.memory_space<vmem>>
      %dma_wait3A_101 = arith.constant 0 : i32
      %dma_wait3A_102 = tpu.memref_slice %arg6[%dma_wait3A_95, %dma_wait3A_101] : memref<200x128xi32, #tpu.memory_space<vmem>> -> memref<1x128xi32, #tpu.memory_space<vmem>>
      %dma_wait3A_103 = tpu.memref_squeeze %dma_wait3A_102 : memref<1x128xi32, #tpu.memory_space<vmem>> -> memref<128xi32, #tpu.memory_space<vmem>>
      %dma_wait3A_104 = arith.constant 0 : i32
      %dma_wait3A_105 = arith.constant 0 : i32
      %dma_wait3A_106 = tpu.memref_slice %arg5[%dma_wait3A_104, %dma_wait3A_105] : memref<8x128xf32, #tpu.memory_space<vmem_shared>> -> memref<8x128xf32, #tpu.memory_space<vmem_shared>>
      tpu.wait_indirect_dma semaphore(%arg8 : memref<!tpu.dma_semaphore, #tpu.memory_space<semaphore_mem>>) src(%dma_wait3A_106 : memref<8x128xf32, #tpu.memory_space<vmem_shared>>) dst(%dma_wait3A_100 : memref<128x128xf32, #tpu.memory_space<vmem>>)
      %mul3A_107 = arith.constant 128 : i32
      %mul3A_108 = arith.muli %add3A_88, %mul3A_107 : i32
      %add3A_109 = arith.addi %mul3A_2, %mul3A_108 : i32
      %dma_start3A_110 = arith.constant 0 : i32
      %dma_start3A_111 = arith.constant 0 : i32
      %dma_start3A_112 = arith.constant 0 : i32
      %dma_start3A_113 = tpu.memref_slice %arg7[%dma_start3A_110, %dma_start3A_111, %dma_start3A_112] : memref<4x128x128xf32, #tpu.memory_space<vmem>> -> memref<1x128x128xf32, #tpu.memory_space<vmem>>
      %dma_start3A_114 = tpu.memref_squeeze %dma_start3A_113 : memref<1x128x128xf32, #tpu.memory_space<vmem>> -> memref<128x128xf32, #tpu.memory_space<vmem>>
      %dma_start3A_115 = arith.constant 0 : i32
      %dma_start3A_116 = tpu.memref_slice %arg4[%add3A_109, %dma_start3A_115] : memref<819200x128xf32, #tpu.memory_space<hbm>> -> memref<128x128xf32, #tpu.memory_space<hbm>>
      %dma_start3A_117 = arith.constant 0 : i32
      %dma_start3A_118 = tpu.memref_slice %arg4[%add3A_109, %dma_start3A_117] : memref<819200x128xf32, #tpu.memory_space<hbm>> -> memref<128x128xf32, #tpu.memory_space<hbm>>
      %dma_start3A_119 = arith.constant 0 : i32
      %dma_start3A_120 = arith.constant 0 : i32
      %dma_start3A_121 = tpu.memref_slice %arg7[%dma_start3A_110, %dma_start3A_119, %dma_start3A_120] : memref<4x128x128xf32, #tpu.memory_space<vmem>> -> memref<1x128x128xf32, #tpu.memory_space<vmem>>
      %dma_start3A_122 = tpu.memref_squeeze %dma_start3A_121 : memref<1x128x128xf32, #tpu.memory_space<vmem>> -> memref<128x128xf32, #tpu.memory_space<vmem>>
      tpu.enqueue_dma source(%dma_start3A_122 : memref<128x128xf32, #tpu.memory_space<vmem>>) target(%dma_start3A_118 : memref<128x128xf32, #tpu.memory_space<hbm>>) target_semaphore(%arg9 : memref<!tpu.dma_semaphore, #tpu.memory_space<semaphore_mem>>)
      %mul3A_123 = arith.constant 4 : i32
      %mul3A_124 = arith.muli %scan3A_84, %mul3A_123 : i32
      %add3A_125 = arith.constant 1 : i32
      %add3A_126 = arith.addi %mul3A_124, %add3A_125 : i32
      %add3A_127 = arith.constant 2 : i32
      %add3A_128 = arith.addi %add3A_126, %add3A_127 : i32
      %lt3A_129 = arith.constant 200 : i32
      %lt3A_130 = arith.cmpi slt, %add3A_128, %lt3A_129 : i32
      %convert_element_type3A_131 = arith.extui %lt3A_130 : i1 to i32
      %cond3A_132 = arith.constant 0 : i32
      %cond3A_133 = arith.cmpi ne, %convert_element_type3A_131, %cond3A_132 : i32
      scf.if %cond3A_133 {
        %add3A_240 = arith.constant 2 : i32
        %add3A_241 = arith.addi %add3A_126, %add3A_240 : i32
        %ge3A = arith.constant 4 : i32
        %ge3A_242 = arith.cmpi sge, %add3A_241, %ge3A : i32
        %convert_element_type3A_243 = arith.extui %ge3A_242 : i1 to i32
        %cond3A_244 = arith.constant 0 : i32
        %cond3A_245 = arith.cmpi ne, %convert_element_type3A_243, %cond3A_244 : i32
        scf.if %cond3A_245 {
          %dma_wait3A_259 = arith.constant 3 : i32
          %dma_wait3A_260 = arith.constant 0 : i32
          %dma_wait3A_261 = arith.constant 0 : i32
          %dma_wait3A_262 = tpu.memref_slice %arg7[%dma_wait3A_259, %dma_wait3A_260, %dma_wait3A_261] : memref<4x128x128xf32, #tpu.memory_space<vmem>> -> memref<1x128x128xf32, #tpu.memory_space<vmem>>
          %dma_wait3A_263 = tpu.memref_squeeze %dma_wait3A_262 : memref<1x128x128xf32, #tpu.memory_space<vmem>> -> memref<128x128xf32, #tpu.memory_space<vmem>>
          %dma_wait3A_264 = arith.constant 0 : i32
          %dma_wait3A_265 = tpu.memref_slice %arg4[%mul3A_2, %dma_wait3A_264] : memref<819200x128xf32, #tpu.memory_space<hbm>> -> memref<128x128xf32, #tpu.memory_space<hbm>>
          %dma_wait3A_266 = arith.constant 0 : i32
          %dma_wait3A_267 = tpu.memref_slice %arg4[%mul3A_2, %dma_wait3A_266] : memref<819200x128xf32, #tpu.memory_space<hbm>> -> memref<128x128xf32, #tpu.memory_space<hbm>>
          %dma_wait3A_268 = arith.constant 0 : i32
          %dma_wait3A_269 = arith.constant 0 : i32
          %dma_wait3A_270 = tpu.memref_slice %arg7[%dma_wait3A_259, %dma_wait3A_268, %dma_wait3A_269] : memref<4x128x128xf32, #tpu.memory_space<vmem>> -> memref<1x128x128xf32, #tpu.memory_space<vmem>>
          %dma_wait3A_271 = tpu.memref_squeeze %dma_wait3A_270 : memref<1x128x128xf32, #tpu.memory_space<vmem>> -> memref<128x128xf32, #tpu.memory_space<vmem>>
          tpu.wait_dma2 semaphore(%arg12 : memref<!tpu.dma_semaphore, #tpu.memory_space<semaphore_mem>>) src(%dma_wait3A_271 : memref<128x128xf32, #tpu.memory_space<vmem>>) dst(%dma_wait3A_267 : memref<128x128xf32, #tpu.memory_space<hbm>>)
        } else {
        }
        %add3A_246 = arith.constant 2 : i32
        %add3A_247 = arith.addi %add3A_126, %add3A_246 : i32
        %dma_start3A_248 = arith.constant 3 : i32
        %dma_start3A_249 = arith.constant 0 : i32
        %dma_start3A_250 = arith.constant 0 : i32
        %dma_start3A_251 = tpu.memref_slice %arg7[%dma_start3A_248, %dma_start3A_249, %dma_start3A_250] : memref<4x128x128xf32, #tpu.memory_space<vmem>> -> memref<1x128x128xf32, #tpu.memory_space<vmem>>
        %dma_start3A_252 = tpu.memref_squeeze %dma_start3A_251 : memref<1x128x128xf32, #tpu.memory_space<vmem>> -> memref<128x128xf32, #tpu.memory_space<vmem>>
        %dma_start3A_253 = arith.constant 0 : i32
        %dma_start3A_254 = tpu.memref_slice %arg6[%add3A_247, %dma_start3A_253] : memref<200x128xi32, #tpu.memory_space<vmem>> -> memref<1x128xi32, #tpu.memory_space<vmem>>
        %dma_start3A_255 = tpu.memref_squeeze %dma_start3A_254 : memref<1x128xi32, #tpu.memory_space<vmem>> -> memref<128xi32, #tpu.memory_space<vmem>>
        %dma_start3A_256 = arith.constant 0 : i32
        %dma_start3A_257 = arith.constant 0 : i32
        %dma_start3A_258 = tpu.memref_slice %arg5[%dma_start3A_256, %dma_start3A_257] : memref<8x128xf32, #tpu.memory_space<vmem_shared>> -> memref<8x128xf32, #tpu.memory_space<vmem_shared>>
        tpu.enqueue_indirect_dma source(%dma_start3A_258 : memref<8x128xf32, #tpu.memory_space<vmem_shared>>) target(%dma_start3A_252 : memref<128x128xf32, #tpu.memory_space<vmem>>) offsets(%dma_start3A_255 : memref<128xi32, #tpu.memory_space<vmem>>) semaphore(%arg8 : memref<!tpu.dma_semaphore, #tpu.memory_space<semaphore_mem>>)
      } else {
      }
      %dma_wait3A_134 = arith.constant 0 : i32
      %dma_wait3A_135 = arith.constant 1 : i32
      %dma_wait3A_136 = arith.constant 0 : i32
      %dma_wait3A_137 = arith.constant 0 : i32
      %dma_wait3A_138 = tpu.memref_slice %arg7[%dma_wait3A_135, %dma_wait3A_136, %dma_wait3A_137] : memref<4x128x128xf32, #tpu.memory_space<vmem>> -> memref<1x128x128xf32, #tpu.memory_space<vmem>>
      %dma_wait3A_139 = tpu.memref_squeeze %dma_wait3A_138 : memref<1x128x128xf32, #tpu.memory_space<vmem>> -> memref<128x128xf32, #tpu.memory_space<vmem>>
      %dma_wait3A_140 = arith.constant 0 : i32
      %dma_wait3A_141 = tpu.memref_slice %arg6[%dma_wait3A_134, %dma_wait3A_140] : memref<200x128xi32, #tpu.memory_space<vmem>> -> memref<1x128xi32, #tpu.memory_space<vmem>>
      %dma_wait3A_142 = tpu.memref_squeeze %dma_wait3A_141 : memref<1x128xi32, #tpu.memory_space<vmem>> -> memref<128xi32, #tpu.memory_space<vmem>>
      %dma_wait3A_143 = arith.constant 0 : i32
      %dma_wait3A_144 = arith.constant 0 : i32
      %dma_wait3A_145 = tpu.memref_slice %arg5[%dma_wait3A_143, %dma_wait3A_144] : memref<8x128xf32, #tpu.memory_space<vmem_shared>> -> memref<8x128xf32, #tpu.memory_space<vmem_shared>>
      tpu.wait_indirect_dma semaphore(%arg8 : memref<!tpu.dma_semaphore, #tpu.memory_space<semaphore_mem>>) src(%dma_wait3A_145 : memref<8x128xf32, #tpu.memory_space<vmem_shared>>) dst(%dma_wait3A_139 : memref<128x128xf32, #tpu.memory_space<vmem>>)
      %mul3A_146 = arith.constant 128 : i32
      %mul3A_147 = arith.muli %add3A_126, %mul3A_146 : i32
      %add3A_148 = arith.addi %mul3A_2, %mul3A_147 : i32
      %dma_start3A_149 = arith.constant 1 : i32
      %dma_start3A_150 = arith.constant 0 : i32
      %dma_start3A_151 = arith.constant 0 : i32
      %dma_start3A_152 = tpu.memref_slice %arg7[%dma_start3A_149, %dma_start3A_150, %dma_start3A_151] : memref<4x128x128xf32, #tpu.memory_space<vmem>> -> memref<1x128x128xf32, #tpu.memory_space<vmem>>
      %dma_start3A_153 = tpu.memref_squeeze %dma_start3A_152 : memref<1x128x128xf32, #tpu.memory_space<vmem>> -> memref<128x128xf32, #tpu.memory_space<vmem>>
      %dma_start3A_154 = arith.constant 0 : i32
      %dma_start3A_155 = tpu.memref_slice %arg4[%add3A_148, %dma_start3A_154] : memref<819200x128xf32, #tpu.memory_space<hbm>> -> memref<128x128xf32, #tpu.memory_space<hbm>>
      %dma_start3A_156 = arith.constant 0 : i32
      %dma_start3A_157 = tpu.memref_slice %arg4[%add3A_148, %dma_start3A_156] : memref<819200x128xf32, #tpu.memory_space<hbm>> -> memref<128x128xf32, #tpu.memory_space<hbm>>
      %dma_start3A_158 = arith.constant 0 : i32
      %dma_start3A_159 = arith.constant 0 : i32
      %dma_start3A_160 = tpu.memref_slice %arg7[%dma_start3A_149, %dma_start3A_158, %dma_start3A_159] : memref<4x128x128xf32, #tpu.memory_space<vmem>> -> memref<1x128x128xf32, #tpu.memory_space<vmem>>
      %dma_start3A_161 = tpu.memref_squeeze %dma_start3A_160 : memref<1x128x128xf32, #tpu.memory_space<vmem>> -> memref<128x128xf32, #tpu.memory_space<vmem>>
      tpu.enqueue_dma source(%dma_start3A_161 : memref<128x128xf32, #tpu.memory_space<vmem>>) target(%dma_start3A_157 : memref<128x128xf32, #tpu.memory_space<hbm>>) target_semaphore(%arg10 : memref<!tpu.dma_semaphore, #tpu.memory_space<semaphore_mem>>)
      %mul3A_162 = arith.constant 4 : i32
      %mul3A_163 = arith.muli %scan3A_84, %mul3A_162 : i32
      %add3A_164 = arith.constant 2 : i32
      %add3A_165 = arith.addi %mul3A_163, %add3A_164 : i32
      %add3A_166 = arith.constant 2 : i32
      %add3A_167 = arith.addi %add3A_165, %add3A_166 : i32
      %lt3A_168 = arith.constant 200 : i32
      %lt3A_169 = arith.cmpi slt, %add3A_167, %lt3A_168 : i32
      %convert_element_type3A_170 = arith.extui %lt3A_169 : i1 to i32
      %cond3A_171 = arith.constant 0 : i32
      %cond3A_172 = arith.cmpi ne, %convert_element_type3A_170, %cond3A_171 : i32
      scf.if %cond3A_172 {
        %add3A_240 = arith.constant 2 : i32
        %add3A_241 = arith.addi %add3A_165, %add3A_240 : i32
        %ge3A = arith.constant 4 : i32
        %ge3A_242 = arith.cmpi sge, %add3A_241, %ge3A : i32
        %convert_element_type3A_243 = arith.extui %ge3A_242 : i1 to i32
        %cond3A_244 = arith.constant 0 : i32
        %cond3A_245 = arith.cmpi ne, %convert_element_type3A_243, %cond3A_244 : i32
        scf.if %cond3A_245 {
          %dma_wait3A_259 = arith.constant 0 : i32
          %dma_wait3A_260 = arith.constant 0 : i32
          %dma_wait3A_261 = arith.constant 0 : i32
          %dma_wait3A_262 = tpu.memref_slice %arg7[%dma_wait3A_259, %dma_wait3A_260, %dma_wait3A_261] : memref<4x128x128xf32, #tpu.memory_space<vmem>> -> memref<1x128x128xf32, #tpu.memory_space<vmem>>
          %dma_wait3A_263 = tpu.memref_squeeze %dma_wait3A_262 : memref<1x128x128xf32, #tpu.memory_space<vmem>> -> memref<128x128xf32, #tpu.memory_space<vmem>>
          %dma_wait3A_264 = arith.constant 0 : i32
          %dma_wait3A_265 = tpu.memref_slice %arg4[%mul3A_2, %dma_wait3A_264] : memref<819200x128xf32, #tpu.memory_space<hbm>> -> memref<128x128xf32, #tpu.memory_space<hbm>>
          %dma_wait3A_266 = arith.constant 0 : i32
          %dma_wait3A_267 = tpu.memref_slice %arg4[%mul3A_2, %dma_wait3A_266] : memref<819200x128xf32, #tpu.memory_space<hbm>> -> memref<128x128xf32, #tpu.memory_space<hbm>>
          %dma_wait3A_268 = arith.constant 0 : i32
          %dma_wait3A_269 = arith.constant 0 : i32
          %dma_wait3A_270 = tpu.memref_slice %arg7[%dma_wait3A_259, %dma_wait3A_268, %dma_wait3A_269] : memref<4x128x128xf32, #tpu.memory_space<vmem>> -> memref<1x128x128xf32, #tpu.memory_space<vmem>>
          %dma_wait3A_271 = tpu.memref_squeeze %dma_wait3A_270 : memref<1x128x128xf32, #tpu.memory_space<vmem>> -> memref<128x128xf32, #tpu.memory_space<vmem>>
          tpu.wait_dma2 semaphore(%arg9 : memref<!tpu.dma_semaphore, #tpu.memory_space<semaphore_mem>>) src(%dma_wait3A_271 : memref<128x128xf32, #tpu.memory_space<vmem>>) dst(%dma_wait3A_267 : memref<128x128xf32, #tpu.memory_space<hbm>>)
        } else {
        }
        %add3A_246 = arith.constant 2 : i32
        %add3A_247 = arith.addi %add3A_165, %add3A_246 : i32
        %dma_start3A_248 = arith.constant 0 : i32
        %dma_start3A_249 = arith.constant 0 : i32
        %dma_start3A_250 = arith.constant 0 : i32
        %dma_start3A_251 = tpu.memref_slice %arg7[%dma_start3A_248, %dma_start3A_249, %dma_start3A_250] : memref<4x128x128xf32, #tpu.memory_space<vmem>> -> memref<1x128x128xf32, #tpu.memory_space<vmem>>
        %dma_start3A_252 = tpu.memref_squeeze %dma_start3A_251 : memref<1x128x128xf32, #tpu.memory_space<vmem>> -> memref<128x128xf32, #tpu.memory_space<vmem>>
        %dma_start3A_253 = arith.constant 0 : i32
        %dma_start3A_254 = tpu.memref_slice %arg6[%add3A_247, %dma_start3A_253] : memref<200x128xi32, #tpu.memory_space<vmem>> -> memref<1x128xi32, #tpu.memory_space<vmem>>
        %dma_start3A_255 = tpu.memref_squeeze %dma_start3A_254 : memref<1x128xi32, #tpu.memory_space<vmem>> -> memref<128xi32, #tpu.memory_space<vmem>>
        %dma_start3A_256 = arith.constant 0 : i32
        %dma_start3A_257 = arith.constant 0 : i32
        %dma_start3A_258 = tpu.memref_slice %arg5[%dma_start3A_256, %dma_start3A_257] : memref<8x128xf32, #tpu.memory_space<vmem_shared>> -> memref<8x128xf32, #tpu.memory_space<vmem_shared>>
        tpu.enqueue_indirect_dma source(%dma_start3A_258 : memref<8x128xf32, #tpu.memory_space<vmem_shared>>) target(%dma_start3A_252 : memref<128x128xf32, #tpu.memory_space<vmem>>) offsets(%dma_start3A_255 : memref<128xi32, #tpu.memory_space<vmem>>) semaphore(%arg8 : memref<!tpu.dma_semaphore, #tpu.memory_space<semaphore_mem>>)
      } else {
      }
      %dma_wait3A_173 = arith.constant 0 : i32
      %dma_wait3A_174 = arith.constant 2 : i32
      %dma_wait3A_175 = arith.constant 0 : i32
      %dma_wait3A_176 = arith.constant 0 : i32
      %dma_wait3A_177 = tpu.memref_slice %arg7[%dma_wait3A_174, %dma_wait3A_175, %dma_wait3A_176] : memref<4x128x128xf32, #tpu.memory_space<vmem>> -> memref<1x128x128xf32, #tpu.memory_space<vmem>>
      %dma_wait3A_178 = tpu.memref_squeeze %dma_wait3A_177 : memref<1x128x128xf32, #tpu.memory_space<vmem>> -> memref<128x128xf32, #tpu.memory_space<vmem>>
      %dma_wait3A_179 = arith.constant 0 : i32
      %dma_wait3A_180 = tpu.memref_slice %arg6[%dma_wait3A_173, %dma_wait3A_179] : memref<200x128xi32, #tpu.memory_space<vmem>> -> memref<1x128xi32, #tpu.memory_space<vmem>>
      %dma_wait3A_181 = tpu.memref_squeeze %dma_wait3A_180 : memref<1x128xi32, #tpu.memory_space<vmem>> -> memref<128xi32, #tpu.memory_space<vmem>>
      %dma_wait3A_182 = arith.constant 0 : i32
      %dma_wait3A_183 = arith.constant 0 : i32
      %dma_wait3A_184 = tpu.memref_slice %arg5[%dma_wait3A_182, %dma_wait3A_183] : memref<8x128xf32, #tpu.memory_space<vmem_shared>> -> memref<8x128xf32, #tpu.memory_space<vmem_shared>>
      tpu.wait_indirect_dma semaphore(%arg8 : memref<!tpu.dma_semaphore, #tpu.memory_space<semaphore_mem>>) src(%dma_wait3A_184 : memref<8x128xf32, #tpu.memory_space<vmem_shared>>) dst(%dma_wait3A_178 : memref<128x128xf32, #tpu.memory_space<vmem>>)
      %mul3A_185 = arith.constant 128 : i32
      %mul3A_186 = arith.muli %add3A_165, %mul3A_185 : i32
      %add3A_187 = arith.addi %mul3A_2, %mul3A_186 : i32
      %dma_start3A_188 = arith.constant 2 : i32
      %dma_start3A_189 = arith.constant 0 : i32
      %dma_start3A_190 = arith.constant 0 : i32
      %dma_start3A_191 = tpu.memref_slice %arg7[%dma_start3A_188, %dma_start3A_189, %dma_start3A_190] : memref<4x128x128xf32, #tpu.memory_space<vmem>> -> memref<1x128x128xf32, #tpu.memory_space<vmem>>
      %dma_start3A_192 = tpu.memref_squeeze %dma_start3A_191 : memref<1x128x128xf32, #tpu.memory_space<vmem>> -> memref<128x128xf32, #tpu.memory_space<vmem>>
      %dma_start3A_193 = arith.constant 0 : i32
      %dma_start3A_194 = tpu.memref_slice %arg4[%add3A_187, %dma_start3A_193] : memref<819200x128xf32, #tpu.memory_space<hbm>> -> memref<128x128xf32, #tpu.memory_space<hbm>>
      %dma_start3A_195 = arith.constant 0 : i32
      %dma_start3A_196 = tpu.memref_slice %arg4[%add3A_187, %dma_start3A_195] : memref<819200x128xf32, #tpu.memory_space<hbm>> -> memref<128x128xf32, #tpu.memory_space<hbm>>
      %dma_start3A_197 = arith.constant 0 : i32
      %dma_start3A_198 = arith.constant 0 : i32
      %dma_start3A_199 = tpu.memref_slice %arg7[%dma_start3A_188, %dma_start3A_197, %dma_start3A_198] : memref<4x128x128xf32, #tpu.memory_space<vmem>> -> memref<1x128x128xf32, #tpu.memory_space<vmem>>
      %dma_start3A_200 = tpu.memref_squeeze %dma_start3A_199 : memref<1x128x128xf32, #tpu.memory_space<vmem>> -> memref<128x128xf32, #tpu.memory_space<vmem>>
      tpu.enqueue_dma source(%dma_start3A_200 : memref<128x128xf32, #tpu.memory_space<vmem>>) target(%dma_start3A_196 : memref<128x128xf32, #tpu.memory_space<hbm>>) target_semaphore(%arg11 : memref<!tpu.dma_semaphore, #tpu.memory_space<semaphore_mem>>)
      %mul3A_201 = arith.constant 4 : i32
      %mul3A_202 = arith.muli %scan3A_84, %mul3A_201 : i32
      %add3A_203 = arith.constant 3 : i32
      %add3A_204 = arith.addi %mul3A_202, %add3A_203 : i32
      %add3A_205 = arith.constant 2 : i32
      %add3A_206 = arith.addi %add3A_204, %add3A_205 : i32
      %lt3A_207 = arith.constant 200 : i32
      %lt3A_208 = arith.cmpi slt, %add3A_206, %lt3A_207 : i32
      %convert_element_type3A_209 = arith.extui %lt3A_208 : i1 to i32
      %cond3A_210 = arith.constant 0 : i32
      %cond3A_211 = arith.cmpi ne, %convert_element_type3A_209, %cond3A_210 : i32
      scf.if %cond3A_211 {
        %add3A_240 = arith.constant 2 : i32
        %add3A_241 = arith.addi %add3A_204, %add3A_240 : i32
        %ge3A = arith.constant 4 : i32
        %ge3A_242 = arith.cmpi sge, %add3A_241, %ge3A : i32
        %convert_element_type3A_243 = arith.extui %ge3A_242 : i1 to i32
        %cond3A_244 = arith.constant 0 : i32
        %cond3A_245 = arith.cmpi ne, %convert_element_type3A_243, %cond3A_244 : i32
        scf.if %cond3A_245 {
          %dma_wait3A_259 = arith.constant 1 : i32
          %dma_wait3A_260 = arith.constant 0 : i32
          %dma_wait3A_261 = arith.constant 0 : i32
          %dma_wait3A_262 = tpu.memref_slice %arg7[%dma_wait3A_259, %dma_wait3A_260, %dma_wait3A_261] : memref<4x128x128xf32, #tpu.memory_space<vmem>> -> memref<1x128x128xf32, #tpu.memory_space<vmem>>
          %dma_wait3A_263 = tpu.memref_squeeze %dma_wait3A_262 : memref<1x128x128xf32, #tpu.memory_space<vmem>> -> memref<128x128xf32, #tpu.memory_space<vmem>>
          %dma_wait3A_264 = arith.constant 0 : i32
          %dma_wait3A_265 = tpu.memref_slice %arg4[%mul3A_2, %dma_wait3A_264] : memref<819200x128xf32, #tpu.memory_space<hbm>> -> memref<128x128xf32, #tpu.memory_space<hbm>>
          %dma_wait3A_266 = arith.constant 0 : i32
          %dma_wait3A_267 = tpu.memref_slice %arg4[%mul3A_2, %dma_wait3A_266] : memref<819200x128xf32, #tpu.memory_space<hbm>> -> memref<128x128xf32, #tpu.memory_space<hbm>>
          %dma_wait3A_268 = arith.constant 0 : i32
          %dma_wait3A_269 = arith.constant 0 : i32
          %dma_wait3A_270 = tpu.memref_slice %arg7[%dma_wait3A_259, %dma_wait3A_268, %dma_wait3A_269] : memref<4x128x128xf32, #tpu.memory_space<vmem>> -> memref<1x128x128xf32, #tpu.memory_space<vmem>>
          %dma_wait3A_271 = tpu.memref_squeeze %dma_wait3A_270 : memref<1x128x128xf32, #tpu.memory_space<vmem>> -> memref<128x128xf32, #tpu.memory_space<vmem>>
          tpu.wait_dma2 semaphore(%arg10 : memref<!tpu.dma_semaphore, #tpu.memory_space<semaphore_mem>>) src(%dma_wait3A_271 : memref<128x128xf32, #tpu.memory_space<vmem>>) dst(%dma_wait3A_267 : memref<128x128xf32, #tpu.memory_space<hbm>>)
        } else {
        }
        %add3A_246 = arith.constant 2 : i32
        %add3A_247 = arith.addi %add3A_204, %add3A_246 : i32
        %dma_start3A_248 = arith.constant 1 : i32
        %dma_start3A_249 = arith.constant 0 : i32
        %dma_start3A_250 = arith.constant 0 : i32
        %dma_start3A_251 = tpu.memref_slice %arg7[%dma_start3A_248, %dma_start3A_249, %dma_start3A_250] : memref<4x128x128xf32, #tpu.memory_space<vmem>> -> memref<1x128x128xf32, #tpu.memory_space<vmem>>
        %dma_start3A_252 = tpu.memref_squeeze %dma_start3A_251 : memref<1x128x128xf32, #tpu.memory_space<vmem>> -> memref<128x128xf32, #tpu.memory_space<vmem>>
        %dma_start3A_253 = arith.constant 0 : i32
        %dma_start3A_254 = tpu.memref_slice %arg6[%add3A_247, %dma_start3A_253] : memref<200x128xi32, #tpu.memory_space<vmem>> -> memref<1x128xi32, #tpu.memory_space<vmem>>
        %dma_start3A_255 = tpu.memref_squeeze %dma_start3A_254 : memref<1x128xi32, #tpu.memory_space<vmem>> -> memref<128xi32, #tpu.memory_space<vmem>>
        %dma_start3A_256 = arith.constant 0 : i32
        %dma_start3A_257 = arith.constant 0 : i32
        %dma_start3A_258 = tpu.memref_slice %arg5[%dma_start3A_256, %dma_start3A_257] : memref<8x128xf32, #tpu.memory_space<vmem_shared>> -> memref<8x128xf32, #tpu.memory_space<vmem_shared>>
        tpu.enqueue_indirect_dma source(%dma_start3A_258 : memref<8x128xf32, #tpu.memory_space<vmem_shared>>) target(%dma_start3A_252 : memref<128x128xf32, #tpu.memory_space<vmem>>) offsets(%dma_start3A_255 : memref<128xi32, #tpu.memory_space<vmem>>) semaphore(%arg8 : memref<!tpu.dma_semaphore, #tpu.memory_space<semaphore_mem>>)
      } else {
      }
      %dma_wait3A_212 = arith.constant 0 : i32
      %dma_wait3A_213 = arith.constant 3 : i32
      %dma_wait3A_214 = arith.constant 0 : i32
      %dma_wait3A_215 = arith.constant 0 : i32
      %dma_wait3A_216 = tpu.memref_slice %arg7[%dma_wait3A_213, %dma_wait3A_214, %dma_wait3A_215] : memref<4x128x128xf32, #tpu.memory_space<vmem>> -> memref<1x128x128xf32, #tpu.memory_space<vmem>>
      %dma_wait3A_217 = tpu.memref_squeeze %dma_wait3A_216 : memref<1x128x128xf32, #tpu.memory_space<vmem>> -> memref<128x128xf32, #tpu.memory_space<vmem>>
      %dma_wait3A_218 = arith.constant 0 : i32
      %dma_wait3A_219 = tpu.memref_slice %arg6[%dma_wait3A_212, %dma_wait3A_218] : memref<200x128xi32, #tpu.memory_space<vmem>> -> memref<1x128xi32, #tpu.memory_space<vmem>>
      %dma_wait3A_220 = tpu.memref_squeeze %dma_wait3A_219 : memref<1x128xi32, #tpu.memory_space<vmem>> -> memref<128xi32, #tpu.memory_space<vmem>>
      %dma_wait3A_221 = arith.constant 0 : i32
      %dma_wait3A_222 = arith.constant 0 : i32
      %dma_wait3A_223 = tpu.memref_slice %arg5[%dma_wait3A_221, %dma_wait3A_222] : memref<8x128xf32, #tpu.memory_space<vmem_shared>> -> memref<8x128xf32, #tpu.memory_space<vmem_shared>>
      tpu.wait_indirect_dma semaphore(%arg8 : memref<!tpu.dma_semaphore, #tpu.memory_space<semaphore_mem>>) src(%dma_wait3A_223 : memref<8x128xf32, #tpu.memory_space<vmem_shared>>) dst(%dma_wait3A_217 : memref<128x128xf32, #tpu.memory_space<vmem>>)
      %mul3A_224 = arith.constant 128 : i32
      %mul3A_225 = arith.muli %add3A_204, %mul3A_224 : i32
      %add3A_226 = arith.addi %mul3A_2, %mul3A_225 : i32
      %dma_start3A_227 = arith.constant 3 : i32
      %dma_start3A_228 = arith.constant 0 : i32
      %dma_start3A_229 = arith.constant 0 : i32
      %dma_start3A_230 = tpu.memref_slice %arg7[%dma_start3A_227, %dma_start3A_228, %dma_start3A_229] : memref<4x128x128xf32, #tpu.memory_space<vmem>> -> memref<1x128x128xf32, #tpu.memory_space<vmem>>
      %dma_start3A_231 = tpu.memref_squeeze %dma_start3A_230 : memref<1x128x128xf32, #tpu.memory_space<vmem>> -> memref<128x128xf32, #tpu.memory_space<vmem>>
      %dma_start3A_232 = arith.constant 0 : i32
      %dma_start3A_233 = tpu.memref_slice %arg4[%add3A_226, %dma_start3A_232] : memref<819200x128xf32, #tpu.memory_space<hbm>> -> memref<128x128xf32, #tpu.memory_space<hbm>>
      %dma_start3A_234 = arith.constant 0 : i32
      %dma_start3A_235 = tpu.memref_slice %arg4[%add3A_226, %dma_start3A_234] : memref<819200x128xf32, #tpu.memory_space<hbm>> -> memref<128x128xf32, #tpu.memory_space<hbm>>
      %dma_start3A_236 = arith.constant 0 : i32
      %dma_start3A_237 = arith.constant 0 : i32
      %dma_start3A_238 = tpu.memref_slice %arg7[%dma_start3A_227, %dma_start3A_236, %dma_start3A_237] : memref<4x128x128xf32, #tpu.memory_space<vmem>> -> memref<1x128x128xf32, #tpu.memory_space<vmem>>
      %dma_start3A_239 = tpu.memref_squeeze %dma_start3A_238 : memref<1x128x128xf32, #tpu.memory_space<vmem>> -> memref<128x128xf32, #tpu.memory_space<vmem>>
      tpu.enqueue_dma source(%dma_start3A_239 : memref<128x128xf32, #tpu.memory_space<vmem>>) target(%dma_start3A_235 : memref<128x128xf32, #tpu.memory_space<hbm>>) target_semaphore(%arg12 : memref<!tpu.dma_semaphore, #tpu.memory_space<semaphore_mem>>)
    }
    %scan3A_32 = arith.constant 50 : i32
    %dma_wait3A = arith.constant 0 : i32
    %dma_wait3A_33 = arith.constant 0 : i32
    %dma_wait3A_34 = arith.constant 0 : i32
    %dma_wait3A_35 = tpu.memref_slice %arg7[%dma_wait3A, %dma_wait3A_33, %dma_wait3A_34] : memref<4x128x128xf32, #tpu.memory_space<vmem>> -> memref<1x128x128xf32, #tpu.memory_space<vmem>>
    %dma_wait3A_36 = tpu.memref_squeeze %dma_wait3A_35 : memref<1x128x128xf32, #tpu.memory_space<vmem>> -> memref<128x128xf32, #tpu.memory_space<vmem>>
    %dma_wait3A_37 = arith.constant 0 : i32
    %dma_wait3A_38 = tpu.memref_slice %arg4[%mul3A_2, %dma_wait3A_37] : memref<819200x128xf32, #tpu.memory_space<hbm>> -> memref<128x128xf32, #tpu.memory_space<hbm>>
    %dma_wait3A_39 = arith.constant 0 : i32
    %dma_wait3A_40 = tpu.memref_slice %arg4[%mul3A_2, %dma_wait3A_39] : memref<819200x128xf32, #tpu.memory_space<hbm>> -> memref<128x128xf32, #tpu.memory_space<hbm>>
    %dma_wait3A_41 = arith.constant 0 : i32
    %dma_wait3A_42 = arith.constant 0 : i32
    %dma_wait3A_43 = tpu.memref_slice %arg7[%dma_wait3A, %dma_wait3A_41, %dma_wait3A_42] : memref<4x128x128xf32, #tpu.memory_space<vmem>> -> memref<1x128x128xf32, #tpu.memory_space<vmem>>
    %dma_wait3A_44 = tpu.memref_squeeze %dma_wait3A_43 : memref<1x128x128xf32, #tpu.memory_space<vmem>> -> memref<128x128xf32, #tpu.memory_space<vmem>>
    tpu.wait_dma2 semaphore(%arg9 : memref<!tpu.dma_semaphore, #tpu.memory_space<semaphore_mem>>) src(%dma_wait3A_44 : memref<128x128xf32, #tpu.memory_space<vmem>>) dst(%dma_wait3A_40 : memref<128x128xf32, #tpu.memory_space<hbm>>)
    %dma_wait3A_45 = arith.constant 1 : i32
    %dma_wait3A_46 = arith.constant 0 : i32
    %dma_wait3A_47 = arith.constant 0 : i32
    %dma_wait3A_48 = tpu.memref_slice %arg7[%dma_wait3A_45, %dma_wait3A_46, %dma_wait3A_47] : memref<4x128x128xf32, #tpu.memory_space<vmem>> -> memref<1x128x128xf32, #tpu.memory_space<vmem>>
    %dma_wait3A_49 = tpu.memref_squeeze %dma_wait3A_48 : memref<1x128x128xf32, #tpu.memory_space<vmem>> -> memref<128x128xf32, #tpu.memory_space<vmem>>
    %dma_wait3A_50 = arith.constant 0 : i32
    %dma_wait3A_51 = tpu.memref_slice %arg4[%mul3A_2, %dma_wait3A_50] : memref<819200x128xf32, #tpu.memory_space<hbm>> -> memref<128x128xf32, #tpu.memory_space<hbm>>
    %dma_wait3A_52 = arith.constant 0 : i32
    %dma_wait3A_53 = tpu.memref_slice %arg4[%mul3A_2, %dma_wait3A_52] : memref<819200x128xf32, #tpu.memory_space<hbm>> -> memref<128x128xf32, #tpu.memory_space<hbm>>
    %dma_wait3A_54 = arith.constant 0 : i32
    %dma_wait3A_55 = arith.constant 0 : i32
    %dma_wait3A_56 = tpu.memref_slice %arg7[%dma_wait3A_45, %dma_wait3A_54, %dma_wait3A_55] : memref<4x128x128xf32, #tpu.memory_space<vmem>> -> memref<1x128x128xf32, #tpu.memory_space<vmem>>
    %dma_wait3A_57 = tpu.memref_squeeze %dma_wait3A_56 : memref<1x128x128xf32, #tpu.memory_space<vmem>> -> memref<128x128xf32, #tpu.memory_space<vmem>>
    tpu.wait_dma2 semaphore(%arg10 : memref<!tpu.dma_semaphore, #tpu.memory_space<semaphore_mem>>) src(%dma_wait3A_57 : memref<128x128xf32, #tpu.memory_space<vmem>>) dst(%dma_wait3A_53 : memref<128x128xf32, #tpu.memory_space<hbm>>)
    %dma_wait3A_58 = arith.constant 2 : i32
    %dma_wait3A_59 = arith.constant 0 : i32
    %dma_wait3A_60 = arith.constant 0 : i32
    %dma_wait3A_61 = tpu.memref_slice %arg7[%dma_wait3A_58, %dma_wait3A_59, %dma_wait3A_60] : memref<4x128x128xf32, #tpu.memory_space<vmem>> -> memref<1x128x128xf32, #tpu.memory_space<vmem>>
    %dma_wait3A_62 = tpu.memref_squeeze %dma_wait3A_61 : memref<1x128x128xf32, #tpu.memory_space<vmem>> -> memref<128x128xf32, #tpu.memory_space<vmem>>
    %dma_wait3A_63 = arith.constant 0 : i32
    %dma_wait3A_64 = tpu.memref_slice %arg4[%mul3A_2, %dma_wait3A_63] : memref<819200x128xf32, #tpu.memory_space<hbm>> -> memref<128x128xf32, #tpu.memory_space<hbm>>
    %dma_wait3A_65 = arith.constant 0 : i32
    %dma_wait3A_66 = tpu.memref_slice %arg4[%mul3A_2, %dma_wait3A_65] : memref<819200x128xf32, #tpu.memory_space<hbm>> -> memref<128x128xf32, #tpu.memory_space<hbm>>
    %dma_wait3A_67 = arith.constant 0 : i32
    %dma_wait3A_68 = arith.constant 0 : i32
    %dma_wait3A_69 = tpu.memref_slice %arg7[%dma_wait3A_58, %dma_wait3A_67, %dma_wait3A_68] : memref<4x128x128xf32, #tpu.memory_space<vmem>> -> memref<1x128x128xf32, #tpu.memory_space<vmem>>
    %dma_wait3A_70 = tpu.memref_squeeze %dma_wait3A_69 : memref<1x128x128xf32, #tpu.memory_space<vmem>> -> memref<128x128xf32, #tpu.memory_space<vmem>>
    tpu.wait_dma2 semaphore(%arg11 : memref<!tpu.dma_semaphore, #tpu.memory_space<semaphore_mem>>) src(%dma_wait3A_70 : memref<128x128xf32, #tpu.memory_space<vmem>>) dst(%dma_wait3A_66 : memref<128x128xf32, #tpu.memory_space<hbm>>)
    %dma_wait3A_71 = arith.constant 3 : i32
    %dma_wait3A_72 = arith.constant 0 : i32
    %dma_wait3A_73 = arith.constant 0 : i32
    %dma_wait3A_74 = tpu.memref_slice %arg7[%dma_wait3A_71, %dma_wait3A_72, %dma_wait3A_73] : memref<4x128x128xf32, #tpu.memory_space<vmem>> -> memref<1x128x128xf32, #tpu.memory_space<vmem>>
    %dma_wait3A_75 = tpu.memref_squeeze %dma_wait3A_74 : memref<1x128x128xf32, #tpu.memory_space<vmem>> -> memref<128x128xf32, #tpu.memory_space<vmem>>
    %dma_wait3A_76 = arith.constant 0 : i32
    %dma_wait3A_77 = tpu.memref_slice %arg4[%mul3A_2, %dma_wait3A_76] : memref<819200x128xf32, #tpu.memory_space<hbm>> -> memref<128x128xf32, #tpu.memory_space<hbm>>
    %dma_wait3A_78 = arith.constant 0 : i32
    %dma_wait3A_79 = tpu.memref_slice %arg4[%mul3A_2, %dma_wait3A_78] : memref<819200x128xf32, #tpu.memory_space<hbm>> -> memref<128x128xf32, #tpu.memory_space<hbm>>
    %dma_wait3A_80 = arith.constant 0 : i32
    %dma_wait3A_81 = arith.constant 0 : i32
    %dma_wait3A_82 = tpu.memref_slice %arg7[%dma_wait3A_71, %dma_wait3A_80, %dma_wait3A_81] : memref<4x128x128xf32, #tpu.memory_space<vmem>> -> memref<1x128x128xf32, #tpu.memory_space<vmem>>
    %dma_wait3A_83 = tpu.memref_squeeze %dma_wait3A_82 : memref<1x128x128xf32, #tpu.memory_space<vmem>> -> memref<128x128xf32, #tpu.memory_space<vmem>>
    tpu.wait_dma2 semaphore(%arg12 : memref<!tpu.dma_semaphore, #tpu.memory_space<semaphore_mem>>) src(%dma_wait3A_83 : memref<128x128xf32, #tpu.memory_space<vmem>>) dst(%dma_wait3A_79 : memref<128x128xf32, #tpu.memory_space<hbm>>)
    return
  }
}

</mosaic_0001>

<sc_bundles>
// kernel: kernel.3.cloned.1.call-start
scs
__scs_entry_jumppad:
0x0: {  	(pc) =	sbr.rel $0x88, $3  }
0x1: {  	(tag) =	ssettag $0x0;
	lr =	simm.s32 $0x1  }
0x2: {  	[smem:$0x3F9F] =	sst lr;
	_ =	strace $0xD0000000  }
0x3: {  	_ = 	snop  }
0x4: {  	_ = 	snop  }
0x5: {  	_ = 	snop  }
0x6: {  	_ = 	snop  }
0x7: {  	_ = 	snop  }
__scs_overlays_trampoline_lowered:
0x8: {  	[smem:$0x3FAE] =	sst s0  }
0x9: {  	[smem:$0x3FAF] =	sst s1  }
0xa: {  	[smem:$0x3FB0] =	sst s2  }
0xb: {  	[smem:$0x3FB1] =	sst s3  }
0xc: {  	[smem:$0x3FB2] =	sst s4  }
0xd: {  	[smem:$0x3FB3] =	sst s5  }
0xe: {  	[smem:$0x3FB4] =	sst s6  }
0xf: {  	[smem:$0x3FB5] =	sst s7  }
0x10: {  	[smem:$0x3FB6] =	sst s8  }
0x11: {  	[smem:$0x3FB7] =	sst s9;
	s0 =	simm.s32 @!p0 $0x0  }
0x12: {  	s1 =	sld [smem:$0x3F9D];
	s0 =	simm.s32 @p0 $0x1  }
0x13: {  	[smem:$0x3FB8] =	sst s0;
	s0 =	simm.s32 @!p1 $0x0  }
0x14: {  	s2 =	sld [smem:$0x3F9C];
	s0 =	simm.s32 @p1 $0x1  }
0x15: {  	[smem:$0x3FB9] =	sst s0;
	s0 =	simm.s32 @!p2 $0x0  }
0x16: {  	s3 =	sld [smem:$0x3FDB];
	s0 =	simm.s32 @p2 $0x1  }
0x17: {  	s4 =	simm.s32 $0x1BF5;
	[smem:$0x3FBB] =	sst s0  }
0x18: {  	s0 =	sld [smem:$0x3F9E];
	_ =	swait.ge [sflag:s4], $0x0  }
0x19: {  	s7 =	sld [smem:$0x3F9F]  }
0x1a: {  	s8 =	sadd.s32 $0xFFFFE003, lr  }
0x1b: {  	s9 =	sadd.s32 $0xFFFFFEF7, lr;
	s5 =	simm.s32 $0xFFFFFFFF;
	p2 =	slt.u32 s8, $0xFFFFF086  }
0x1c: {  	p1 =	slt.u32 s9, $0xF7A;
	s5 =	simm.s32 @!p2 $0x0  }
0x1d: {  	s5 =	simm.s32 @p1 $0x1;
	p0 =	seq.s32 s7, s2  }
0x1e: {  	s7 =	smul.u32 @!p0 $0xF7A, s2;
	p2 =	seq.s32 @!p0 s5, $0x0  }
0x1f: {  	s9 =	smul.u32 $0xF7A, s1;
	s8 =	simm.s32 @!p0 $0x1BF5;
	p2 =	por !p2, p0  }
0x20: {  	[sflag:s8] =	ssyncset.s32 @!p0 $0xFFFFF086;
	s6 =	sadd.s32 @!p0 s3, s7;
	s7 =	simm.s32 @!p0 $0x108  }
0x21: {  	s3 =	sadd.s32 s3, s9;
	s6 =	sadd.s32 @!p0 $0x88, s6;
	s7 =	simm.s32 @p2 $0x1082  }
0x22: {  	[simem:s7], [sflag:s8] =	dma.local @!p0 [hbm:s6], $0xF7A  }
0x23: {  	s9 =	sor.u32 $0xD0000000, s2;
	s6 =	simm.s32 $0x108;
	_ =	swait.ge @!p0 [sflag:s8], $0x0  }
0x24: {  	s3 =	sadd.s32 $0x88, s3;
	s6 =	simm.s32 @!p1 $0x1082;
	[sflag:s4] =	ssyncset.s32 $0xFFFFF086  }
0x25: {  	[simem:s6], [sflag:s4] =	dma.local [hbm:s3], $0xF7A  }
0x26: {  	[smem:$0x3F9F] =	sst s1;
	(tag) =	ssettag s2;
	_ =	strace s9  }
0x27: {  	s1 =	sld [smem:$0x3FAF]  }
0x28: {  	s2 =	sld [smem:$0x3FB0]  }
0x29: {  	s4 =	sld [smem:$0x3FB2]  }
0x2a: {  	p0 =	seq.s32 s5, $0x0;
	s5 =	sld [smem:$0x3FB3]  }
0x2b: {  	s6 =	sld [smem:$0x3FB4]  }
0x2c: {  	s7 =	sld [smem:$0x3FB5]  }
0x2d: {  	s3 =	simm.s32 $0x108;
	s8 =	sld [smem:$0x3FB6]  }
0x2e: {  	s3 =	simm.s32 @!p0 $0x1082;
	s9 =	sld [smem:$0x3FB7]  }
0x2f: {  	lr =	sadd.s32 s0, s3;
	s0 =	sld [smem:$0x3FAE]  }
0x30: {  	s3 =	sld [smem:$0x3FB1]  }
0x31: {  	[smem:$0x3FBA] =	sst s10  }
0x32: {  	s10 =	sld [smem:$0x3FB8];
	_ =	sdelay $0x3  }
0x33: {  	p0 =	seq.s32 s10, $0x1;
	s10 =	sld [smem:$0x3FBA];
	_ =	sdelay $0x3  }
0x34: {  	[smem:$0x3FBA] =	sst s10  }
0x35: {  	s10 =	sld [smem:$0x3FB9];
	_ =	sdelay $0x3  }
0x36: {  	p1 =	seq.s32 s10, $0x1;
	s10 =	sld [smem:$0x3FBA];
	_ =	sdelay $0x3  }
0x37: {  	[smem:$0x3FBA] =	sst s10  }
0x38: {  	s10 =	sld [smem:$0x3FBB]  }
0x39: {  	_ = 	snop;
	(pc) =	sbr.ind lr, $3  }
0x3a: {  	_ = 	snop  }
0x3b: {  	_ = 	snop  }
0x3c: {  	p2 =	seq.s32 s10, $0x1;
	s10 =	sld [smem:$0x3FBA]  }
0x3d: {  	_ =	shalt  }
0x3e: {  	_ =	shalt  }
0x3f: {  	_ =	shalt  }
0x40: {  	_ =	shalt  }
0x41: {  	_ =	shalt  }
0x42: {  	_ =	shalt  }
0x43: {  	_ =	shalt  }
0x44: {  	_ =	shalt  }
0x45: {  	_ =	shalt  }
0x46: {  	_ =	shalt  }
0x47: {  	_ =	shalt  }
0x48: {  	_ =	shalt  }
0x49: {  	_ =	shalt  }
0x4a: {  	_ =	shalt  }
0x4b: {  	_ =	shalt  }
0x4c: {  	_ =	shalt  }
0x4d: {  	_ =	shalt  }
0x4e: {  	_ =	shalt  }
0x4f: {  	_ =	shalt  }
0x50: {  	_ =	shalt  }
0x51: {  	_ =	shalt  }
0x52: {  	_ =	shalt  }
0x53: {  	_ =	shalt  }
0x54: {  	_ =	shalt  }
0x55: {  	_ =	shalt  }
0x56: {  	_ =	shalt  }
0x57: {  	_ =	shalt  }
0x58: {  	_ =	shalt  }
0x59: {  	_ =	shalt  }
0x5a: {  	_ =	shalt  }
0x5b: {  	_ =	shalt  }
0x5c: {  	_ =	shalt  }
0x5d: {  	_ =	shalt  }
0x5e: {  	_ =	shalt  }
0x5f: {  	_ =	shalt  }
0x60: {  	_ =	shalt  }
0x61: {  	_ =	shalt  }
0x62: {  	_ =	shalt  }
0x63: {  	_ =	shalt  }
0x64: {  	_ =	shalt  }
0x65: {  	_ =	shalt  }
0x66: {  	_ =	shalt  }
0x67: {  	_ =	shalt  }
0x68: {  	_ =	shalt  }
0x69: {  	_ =	shalt  }
0x6a: {  	_ =	shalt  }
0x6b: {  	_ =	shalt  }
0x6c: {  	_ =	shalt  }
0x6d: {  	_ =	shalt  }
0x6e: {  	_ =	shalt  }
0x6f: {  	_ =	shalt  }
0x70: {  	_ =	shalt  }
0x71: {  	_ =	shalt  }
0x72: {  	_ =	shalt  }
0x73: {  	_ =	shalt  }
0x74: {  	_ =	shalt  }
0x75: {  	_ =	shalt  }
0x76: {  	_ =	shalt  }
0x77: {  	_ =	shalt  }
0x78: {  	_ =	shalt  }
0x79: {  	_ =	shalt  }
0x7a: {  	_ =	shalt  }
0x7b: {  	_ =	shalt  }
0x7c: {  	_ =	shalt  }
0x7d: {  	_ =	shalt  }
0x7e: {  	_ =	shalt  }
0x7f: {  	_ =	shalt  }
0x80: {  	_ =	shalt  }
0x81: {  	_ =	shalt  }
0x82: {  	_ =	shalt  }
0x83: {  	_ =	shalt  }
0x84: {  	_ =	shalt  }
0x85: {  	_ =	shalt  }
0x86: {  	_ =	shalt  }
0x87: {  	_ =	shalt  }
.Lfunc_end0:
.L_simem_size_0:
called_computation_lowered:
.L_overlay_start_0:
0x88: {  	s2 =	sld [smem:$0x3FD9]  }
0x89: {  	s3 =	sld [smem:$0x3FFE];
	_ =	sdelay $0x1  }
0x8a: {  	s1 =	srdreg.scid  }
0x8b: {  	s0 =	sand.u32 $0x1, s1  }
0x8c: {  	s17 =	sshll.u32 s0, $0xA;
	s2 =	sadd.s32 s3, s2  }
0x8d: {  	s2 =	sadd.s32 s2, s17  }
0x8e: {  	[smem:$0x3FC6] =	sst s2  }
0x8f: {  	_ = 	snop  }
0x90: {  	s2 =	sld [smem:$0x3FC8]  }
0x91: {  	s18 =	sld [smem:$0x3FD0];
	(tm) =	ssettm $0x1  }
0x92: {  	s4 =	sld [smem:$0x3FFB];
	_ =	sdelay $0x3  }
0x93: {  	_ =	strace s4  }
0x94: {  	s4 =	sld [smem:$0x3FFC];
	_ =	sdelay $0x3  }
0x95: {  	_ =	strace s4  }
0x96: {  	s4 =	sld [smem:$0x3FFD];
	_ =	sdelay $0x3  }
0x97: {  	_ =	strace s4  }
0x98: {  	_ =	strace $0x8FFFFFFF  }
0x99: {  	s19 =	sld [smem:$0x3FDB];
	_ =	sdelay $0x1  }
0x9a: {  	s5 =	simm.s32 $_scs_section_size  }
0x9b: {  	s6 =	simm.s32 $_size__tile_overlayer_lowered;
	s7 =	simm.s32 $_tile_overlayer_lowered  }
0x9c: {  	s22 =	simm.s32 $0x1BFF;
	s21 =	sshll.u32 s7, $0x1;
	s4 =	sadd.s32 s5, s19  }
0x9d: {  	s8 =	simm.s32 $0x0;
	s20 =	sshll.u32 s6, $0x1;
	s6 =	sadd.s32 s21, s4  }
0x9e: {  	[timem:s8], [sflag:s22] =	dma.local [hbm:s6], s20  }
0x9f: {  	_ =	swait.ge [sflag:s22], s20  }
0xa0: {  	s5 =	ssub.s32 $0x0, s20;
	[sflag:s22] =	ssyncset.done $0x0  }
0xa1: {  	[sflag:s22] =	ssyncadd.s32 s5;
	_ =	sdelay $0x1  }
0xa2: {  	s23 =	simm.s32 $0x1B8B  }
0xa3: {  	_ =	swait.ge [sflag:s23], $0x1  }
0xa4: {  	[sflag:s23] =	ssyncset.done $0x0  }
0xa5: {  	s25 =	simm.s32 $0x1B8E;
	s24 =	sld [smem:$0x3FFE];
	[sflag:s23] =	ssyncadd.s32 $0xFFFFFFFF  }
0xa6: {  	s26 =	simm.s32 $execute0_lowered;
	[smem:$0x3FD2] =	sst s25  }
0xa7: {  	s6 =	sshll.u32 s26, $0x1;
	_ =	strace $0x80000046;
	[dreg:$0x1] =	wrdreg $0xFFFFFFFF  }
0xa8: {  	s28 =	simm.s32 $_size_execute0_lowered;
	s4 =	sadd.s32 s4, s6;
	[dreg:$0x0] =	wrdreg $0x0  }
0xa9: {  	s6 =	sshll.u32 s28, $0x1;
	[dreg:$0x2] =	wrdreg s4  }
0xaa: {  	[dreg:$0x3] =	wrdreg s6  }
0xab: {  	[dreg:$0x4] =	wrdreg $0xC0  }
0xac: {  	_ =	task [dreg:s8], $0x5FFFF  }
0xad: {  	[dreg:$0x1] =	wrdreg $0xFFFFFFFF  }
0xae: {  	[dreg:$0x0] =	wrdreg $0x60  }
0xaf: {  	[dreg:$0x2] =	wrdreg s24  }
0xb0: {  	[dreg:$0x3] =	wrdreg s2  }
0xb1: {  	[dreg:$0x4] =	wrdreg s18  }
0xb2: {  	[dreg:$0x5] =	wrdreg $0x0  }
0xb3: {  	[dreg:$0x6] =	wrdreg $0x9  }
0xb4: {  	_ =	task.clear_ibuf [dreg:s8], $0x7FFFF;
	_ =	strace $0x90000046  }
0xb5: {  	s29 =	simm.s32 $0x9;
	_ =	strace $0x80000048  }
0xb6: {  	_ =	swait.ge [sflag:s29], $0x1  }
0xb7: {  	[sflag:s29] =	ssyncadd.s32 $0xFFFFFFFF  }
0xb8: {  	_ =	strace $0x90000048  }
0xb9: {  	_ =	sfence  }
0xba: {  	s30 =	sld [smem:$0x0];
	_ =	sdelay $0x2  }
0xbb: {  	s31 =	sshll.u32 s1, $0xD;
	s1 =	sshrl.u32 s1, $0x2  }
0xbc: {  	s3 =	sand.u32 $0x4000, s31;
	s1 =	sadd.s32 s1, s30  }
0xbd: {  	s0 =	sor.u32 s3, s0;
	s1 =	sshll.u32 s1, $0x11  }
0xbe: {  	s0 =	sor.u32 s1, s0  }
0xbf: {  	s0 =	sadd.s32 $0x8F2B, s0  }
0xc0: {  	[sflag:s0] =	ssyncadd.remote.s32 $0x1  }
0xc1: {  	_ =	sfence.sel $0xFFFF  }
0xc2: {  	[dreg:$0x0] =	wrdreg $0xFFFFFFFF;
	(pc) =	sbr.abs _section_cstart, $3  }
0xc3: {  	[dreg:$0x1] =	wrdreg $0xFFFFFFFF  }
0xc4: {  	_ =	task.clear_ibuf [dreg:s8], $0x2FFFF;
	_ =	strace $0x9FFFFFFF  }
0xc5: {  	(tm) =	ssettm $0x7FFFFFFF  }
tec
execute0_lowered:
.L_overlay_start_1:
0x0: {  	(tag) =	ssettag $0x1  }
0x1: {  	s1 =	rddreg [dreg:$0x0]  }
0x2: {  	s2 =	srdreg.scid;
	s8 =	stileid.u32  }
0x3: {  	s9 =	rddreg [dreg:$0x2];
	s13 =	simm.s32 $0x80;
	s14 =	simm.s32 $0x6440  }
0x4: {  	s16 =	simm.s32 $0xA440;
	s17 =	simm.s32 $0xE440;
	s18 =	simm.s32 $0x1  }
0x5: {  	s19 =	simm.s32 $0x12440;
	s20 =	simm.s32 $0x2;
	s21 =	simm.s32 $0x3  }
0x6: {  	s22 =	simm.s32 $0x4;
	s23 =	simm.s32 $0x5;
	s6 =	smul.u32 $0xC8000, s8  }
0x7: {  	s24 =	simm.s32 $0x0;
	s4 =	sand.u32 $0x1, s2;
	s10 =	smul.u32 $0x640000, s8  }
0x8: {  	s3 =	sshll.u32 s8, $0x1;
	s2 =	rddreg [dreg:$0x3];
	s7 =	smul.u32 $0x64000, s4  }
0x9: {  	p0 =	sne.s32 s8, $0x0;
	s5 =	sor.u32 s4, s3;
	s12 =	smul.u32 $0x320000, s4  }
0xa: {  	s3 =	simm.s32 $0x0;
	s25 =	ssub.s32 $0x2, s4;
	s5 =	smul.u32 $0xC80, s5  }
0xb: {  	[smem:$0x7FF] =	sst s3;
	s11 =	sshrl.u32 s25, $0x1;
	s6 =	sadd.s32 s6, s9  }
0xc: {  	_ =	strace $0x80000047;
	s26 =	sadd.s32 s7, s6;
	s29 =	sadd.s32 s12, s10  }
0xd: {  	s12 =	simm.s32 $0x6;
	s1 =	sadd.s32 s5, s1;
	s5 =	ssub.s32 s25, s11  }
0xe: {  	s6 =	sadd.s32 $0x800, s26;
	s30 =	sshrl.u32 s29, $0x3;
	s10 =	sor.u32 $0xC000, s29  }
0xf: {  	s0 =	sadd.s32 $0x400, s1;
	s28 =	smax.u32 s5, $0x1;
	s1 =	sor.u32 $0x8000, s29  }
0x10: {  	s7 =	sadd.s32 s30, s9;
	s10 =	sshrl.u32 s10, $0x3;
	[dreg:$0x5] =	wrdreg s0  }
0x11: {  	[dreg:$0x6] =	wrdreg s28;
	s31 =	sshrl.u32 s1, $0x3;
	s0 =	sshrl.u32 @!p0 s2, $0x3  }
0x12: {  	s1 =	sadd.s32 s10, s9;
	s9 =	sadd.s32 s31, s9;
	[dreg:$0x7] =	wrdreg s0  }
.LBB2_1:
0x13: {  	s0 =	rddreg [dreg:$0x1]  }
0x14: {  	s8 =	simm.s32 @!p0 $0x1C06;
	s4 =	rddreg [dreg:$0x7]  }
0x15: {  	[spmem:s4], [sflag:s8] =	dma.local @!p0 [hbm:s0], $0x30  }
0x16: {  	s8 =	simm.s32 @!p0 $0x6  }
0x17: {  	_ =	swait.ge @!p0 [sflag:s8], $0x30  }
0x18: {  	[sflag:s8] =	ssyncset.done @!p0 $0x0  }
0x19: {  	s15 =	simm.s32 $0x40;
	s11 =	rddreg [dreg:$0x5];
	[sflag:s8] =	ssyncadd.s32 @!p0 $0xFFFFFFD0  }
0x1a: {  	[tilespmem:s15], [sflag:$0x6] =	stream.linear.gather [hbm4b:s11+s3], $0x6400, $0x38;
	[tilespmem:$0x16440] =	vst v63  }
0x1b: {  	_ =	swait.ge [sflag:s12], $0x6400  }
0x1c: {  	[sflag:s12] =	ssyncset.done $0x0  }
0x1d: {  	[sflag:s12] =	ssyncadd.s32 $0xFFFF9C00  }
0x1e: {  	p1 =	por $0x1, $0x1;
	[bflag:$0x0] =	sbarrier.arrive $0xFFFF  }
0x1f: {  	[tilespmem:s14], [sflag:$0x1] =	stream.indirect.gather [spmem:s2], $0x80, s15, s13, $0xb8;
	[tilespmem:$0x16440] =	vst v63  }
0x20: {  	s25 =	simm.s32 $0xC0;
	s8 =	simm.s32 @!p1 $0x4  }
0x21: {  	[tilespmem:s16], [sflag:$0x1] =	stream.indirect.gather [spmem:s2], $0x80, s25, s13, $0xb8;
	[tilespmem:$0x16440] =	vst v63  }
0x22: {  	_ =	swait.ge @!p1 [sflag:s8], $0x4000  }
0x23: {  	[sflag:s8] =	ssyncset.done @!p1 $0x0  }
0x24: {  	s25 =	simm.s32 $0x140;
	[sflag:s8] =	ssyncadd.s32 @!p1 $0xFFFFC000  }
0x25: {  	[tilespmem:s17], [sflag:$0x1] =	stream.indirect.gather [spmem:s2], $0x80, s25, s13, $0xb8;
	[tilespmem:$0x16440] =	vst v63  }
0x26: {  	_ =	swait.ge [sflag:s18], $0x4000  }
0x27: {  	[sflag:s18] =	ssyncset.done $0x0  }
0x28: {  	s8 =	simm.s32 @!p1 $0x5;
	[sflag:s18] =	ssyncadd.s32 $0xFFFFC000  }
0x29: {  	[hbm4b:s7+s3] =	stream.linear.scatter [tilespmem:s14], [sflag:$0x2], $0x4000, $0x38;
	[tilespmem:$0x16440] =	vst v63  }
0x2a: {  	_ =	swait.ge @!p1 [sflag:s8], $0x4000  }
0x2b: {  	[sflag:s8] =	ssyncset.done @!p1 $0x0  }
0x2c: {  	s26 =	simm.s32 $0x1C0;
	[sflag:s8] =	ssyncadd.s32 @!p1 $0xFFFFC000  }
0x2d: {  	[tilespmem:s19], [sflag:$0x1] =	stream.indirect.gather [spmem:s2], $0x80, s26, s13, $0xb8;
	[tilespmem:$0x16440] =	vst v63  }
0x2e: {  	_ =	swait.ge [sflag:s18], $0x4000  }
0x2f: {  	p1 =	por $0x0, $0x0;
	[sflag:s18] =	ssyncset.done $0x0  }
0x30: {  	s8 =	simm.s32 @!p1 $0x2;
	[sflag:s18] =	ssyncadd.s32 $0xFFFFC000  }
0x31: {  	[hbm4b:s6+s3] =	stream.linear.scatter [tilespmem:s16], [sflag:$0x3], $0x4000, $0x38;
	[tilespmem:$0x16440] =	vst v63  }
0x32: {  	_ =	swait.ge @!p1 [sflag:s8], $0x4000  }
0x33: {  	s25 =	simm.s32 @!p1 $0x240;
	[sflag:s8] =	ssyncset.done @!p1 $0x0  }
0x34: {  	s26 =	simm.s32 @!p1 $0x80;
	s28 =	simm.s32 @!p1 $0x6440;
	[sflag:s8] =	ssyncadd.s32 @!p1 $0xFFFFC000  }
0x35: {  	[tilespmem:s28], [sflag:$0x1] =	stream.indirect.gather @!p1 [spmem:s2], $0x80, s25, s26, $0xb8;
	[tilespmem:$0x16440] =	vst v63  }
0x36: {  	_ =	swait.ge [sflag:s18], $0x4000  }
0x37: {  	[sflag:s18] =	ssyncset.done $0x0  }
0x38: {  	s8 =	simm.s32 @!p1 $0x3;
	[sflag:s18] =	ssyncadd.s32 $0xFFFFC000  }
0x39: {  	[hbm4b:s9+s3] =	stream.linear.scatter [tilespmem:s17], [sflag:$0x4], $0x4000, $0x38;
	[tilespmem:$0x16440] =	vst v63  }
0x3a: {  	s31 =	simm.s32 $0x1000;
	_ =	swait.ge @!p1 [sflag:s8], $0x4000  }
0x3b: {  	s30 =	sadd.s32 $0x2000, s7;
	p2 =	por $0x0, $0x0;
	[sflag:s8] =	ssyncset.done @!p1 $0x0  }
0x3c: {  	s29 =	simm.s32 @!p1 $0xA440;
	s25 =	simm.s32 @!p1 $0x2C0;
	[sflag:s8] =	ssyncadd.s32 @!p1 $0xFFFFC000  }
0x3d: {  	[tilespmem:s29], [sflag:$0x1] =	stream.indirect.gather @!p1 [spmem:s2], $0x80, s25, s26, $0xb8;
	[tilespmem:$0x16440] =	vst v63  }
0x3e: {  	s28 =	simm.s32 $0x800;
	s8 =	smov.u32 s1;
	s26 =	sadd.s32 $0x2000, s9  }
0x3f: {  	s25 =	sadd.s32 $0x2000, s1;
	s29 =	sadd.s32 $0x2000, s6;
	_ =	swait.ge [sflag:s18], $0x4000  }
.LBB2_2:
0x40: {  	s0 =	simm.s32 @!p2 $0x4  }
0x41: {  	[sflag:s18] =	ssyncset.done $0x0;
	s15 =	smov.u32 s31;
	s31 =	sadd.s32 $0x800, s31  }
0x42: {  	p1 =	sne.s32 s31, $0x19000;
	[sflag:s18] =	ssyncadd.s32 $0xFFFFC000  }
0x43: {  	[hbm4b:s8+s3] =	stream.linear.scatter [tilespmem:s19], [sflag:$0x5], $0x4000, $0x38;
	[tilespmem:$0x16440] =	vst v63  }
0x44: {  	s4 =	sshra.s32 s28, $0x2;
	s8 =	smov.u32 s25;
	_ =	swait.ge @!p2 [sflag:s0], $0x4000  }
0x45: {  	s5 =	sadd.s32 $0x140, s4;
	[sflag:s0] =	ssyncset.done @!p2 $0x0  }
0x46: {  	[sflag:s0] =	ssyncadd.s32 @!p2 $0xFFFFC000  }
0x47: {  	[tilespmem:s17], [sflag:$0x1] =	stream.indirect.gather [spmem:s2], $0x80, s5, s13, $0xb8;
	[tilespmem:$0x16440] =	vst v63  }
0x48: {  	_ =	swait.ge [sflag:s18], $0x4000  }
0x49: {  	s0 =	simm.s32 @!p2 $0x5;
	[sflag:s18] =	ssyncset.done $0x0  }
0x4a: {  	[sflag:s18] =	ssyncadd.s32 $0xFFFFC000  }
0x4b: {  	[hbm4b:s30+s3] =	stream.linear.scatter [tilespmem:s14], [sflag:$0x2], $0x4000, $0x38;
	[tilespmem:$0x16440] =	vst v63  }
0x4c: {  	_ =	swait.ge @!p2 [sflag:s0], $0x4000  }
0x4d: {  	s4 =	sadd.s32 $0x1C0, s4;
	[sflag:s0] =	ssyncset.done @!p2 $0x0  }
0x4e: {  	[sflag:s0] =	ssyncadd.s32 @!p2 $0xFFFFC000  }
0x4f: {  	[tilespmem:s19], [sflag:$0x1] =	stream.indirect.gather [spmem:s2], $0x80, s4, s13, $0xb8;
	[tilespmem:$0x16440] =	vst v63  }
0x50: {  	_ =	swait.ge [sflag:s18], $0x4000  }
0x51: {  	p2 =	seq.s32 s28, $0x18800;
	[sflag:s18] =	ssyncset.done $0x0  }
0x52: {  	s0 =	simm.s32 @!p2 $0x2;
	s4 =	sshra.s32 @!p2 s28, $0x2;
	[sflag:s18] =	ssyncadd.s32 $0xFFFFC000  }
0x53: {  	[hbm4b:s29+s3] =	stream.linear.scatter [tilespmem:s16], [sflag:$0x3], $0x4000, $0x38;
	[tilespmem:$0x16440] =	vst v63  }
0x54: {  	s5 =	sadd.s32 @!p2 $0x240, s4;
	s4 =	sadd.s32 @!p2 $0x2C0, s4;
	_ =	swait.ge @!p2 [sflag:s0], $0x4000  }
0x55: {  	s11 =	simm.s32 @!p2 $0x80;
	s10 =	simm.s32 @!p2 $0x6440;
	[sflag:s0] =	ssyncset.done @!p2 $0x0  }
0x56: {  	s28 =	smov.u32 s15;
	[sflag:s0] =	ssyncadd.s32 @!p2 $0xFFFFC000  }
0x57: {  	[tilespmem:s10], [sflag:$0x1] =	stream.indirect.gather @!p2 [spmem:s2], $0x80, s5, s11, $0xb8;
	[tilespmem:$0x16440] =	vst v63  }
0x58: {  	_ =	swait.ge [sflag:s18], $0x4000  }
0x59: {  	[sflag:s18] =	ssyncset.done $0x0  }
0x5a: {  	s0 =	simm.s32 @!p2 $0x3;
	[sflag:s18] =	ssyncadd.s32 $0xFFFFC000  }
0x5b: {  	[hbm4b:s26+s3] =	stream.linear.scatter [tilespmem:s17], [sflag:$0x4], $0x4000, $0x38;
	[tilespmem:$0x16440] =	vst v63  }
.Ltmp0:
0x5c: {  	_ =	swait.ge @!p2 [sflag:s0], $0x4000;
	(pc) =	sbr.rel @p1 .LBB2_2-.Ltmp0, $4  }
0x5d: {  	s5 =	simm.s32 @!p2 $0xA440;
	s26 =	sadd.s32 $0x2000, s26;
	[sflag:s0] =	ssyncset.done @!p2 $0x0  }
0x5e: {  	s25 =	sadd.s32 $0x2000, s25;
	s30 =	sadd.s32 $0x2000, s30;
	[sflag:s0] =	ssyncadd.s32 @!p2 $0xFFFFC000  }
0x5f: {  	[tilespmem:s5], [sflag:$0x1] =	stream.indirect.gather @!p2 [spmem:s2], $0x80, s4, s11, $0xb8;
	[tilespmem:$0x16440] =	vst v63  }
0x60: {  	s29 =	sadd.s32 $0x2000, s29;
	p2 =	seq.s32 s28, $0x0;
	_ =	swait.ge [sflag:s18], $0x4000  }
0x61: {  	[sflag:s18] =	ssyncset.done $0x0  }
0x62: {  	s0 =	simm.s32 @!p2 $0x4;
	[sflag:s18] =	ssyncadd.s32 $0xFFFFC000  }
0x63: {  	[hbm4b:s8+s3] =	stream.linear.scatter [tilespmem:s19], [sflag:$0x5], $0x4000, $0x38;
	[tilespmem:$0x16440] =	vst v63  }
0x64: {  	_ =	swait.ge @!p2 [sflag:s0], $0x4000  }
0x65: {  	s4 =	sshra.s32 s28, $0x2;
	[sflag:s0] =	ssyncset.done @!p2 $0x0  }
0x66: {  	s5 =	sadd.s32 $0x140, s4;
	[sflag:s0] =	ssyncadd.s32 @!p2 $0xFFFFC000  }
0x67: {  	[tilespmem:s17], [sflag:$0x1] =	stream.indirect.gather [spmem:s2], $0x80, s5, s13, $0xb8;
	[tilespmem:$0x16440] =	vst v63  }
0x68: {  	_ =	swait.ge [sflag:s18], $0x4000  }
0x69: {  	[sflag:s18] =	ssyncset.done $0x0  }
0x6a: {  	s0 =	simm.s32 @!p2 $0x5;
	[sflag:s18] =	ssyncadd.s32 $0xFFFFC000  }
0x6b: {  	[hbm4b:s30+s3] =	stream.linear.scatter [tilespmem:s14], [sflag:$0x2], $0x4000, $0x38;
	[tilespmem:$0x16440] =	vst v63  }
0x6c: {  	_ =	swait.ge @!p2 [sflag:s0], $0x4000  }
0x6d: {  	[sflag:s0] =	ssyncset.done @!p2 $0x0  }
0x6e: {  	s4 =	sadd.s32 $0x1C0, s4;
	[sflag:s0] =	ssyncadd.s32 @!p2 $0xFFFFC000  }
0x6f: {  	[tilespmem:s19], [sflag:$0x1] =	stream.indirect.gather [spmem:s2], $0x80, s4, s13, $0xb8;
	[tilespmem:$0x16440] =	vst v63  }
0x70: {  	_ =	swait.ge [sflag:s18], $0x4000  }
0x71: {  	p1 =	seq.s32 s28, $0x18800;
	[sflag:s18] =	ssyncset.done $0x0  }
0x72: {  	s0 =	simm.s32 @!p1 $0x2;
	[sflag:s18] =	ssyncadd.s32 $0xFFFFC000  }
0x73: {  	[hbm4b:s29+s3] =	stream.linear.scatter [tilespmem:s16], [sflag:$0x3], $0x4000, $0x38;
	[tilespmem:$0x16440] =	vst v63  }
0x74: {  	_ =	swait.ge @!p1 [sflag:s0], $0x4000  }
0x75: {  	s10 =	simm.s32 @!p1 $0x6440;
	s4 =	sshra.s32 @!p1 s28, $0x2;
	[sflag:s0] =	ssyncset.done @!p1 $0x0  }
0x76: {  	s8 =	simm.s32 @!p1 $0x80;
	s5 =	sadd.s32 @!p1 $0x240, s4;
	[sflag:s0] =	ssyncadd.s32 @!p1 $0xFFFFC000  }
0x77: {  	[tilespmem:s10], [sflag:$0x1] =	stream.indirect.gather @!p1 [spmem:s2], $0x80, s5, s8, $0xb8;
	[tilespmem:$0x16440] =	vst v63  }
0x78: {  	_ =	swait.ge [sflag:s18], $0x4000  }
0x79: {  	[sflag:s18] =	ssyncset.done $0x0  }
0x7a: {  	s0 =	simm.s32 @!p1 $0x3;
	[sflag:s18] =	ssyncadd.s32 $0xFFFFC000  }
0x7b: {  	[hbm4b:s26+s3] =	stream.linear.scatter [tilespmem:s17], [sflag:$0x4], $0x4000, $0x38;
	[tilespmem:$0x16440] =	vst v63  }
0x7c: {  	_ =	swait.ge @!p1 [sflag:s0], $0x4000  }
0x7d: {  	[sflag:s0] =	ssyncset.done @!p1 $0x0  }
0x7e: {  	s4 =	sadd.s32 @!p1 $0x2C0, s4;
	s5 =	simm.s32 @!p1 $0xA440;
	[sflag:s0] =	ssyncadd.s32 @!p1 $0xFFFFC000  }
0x7f: {  	[tilespmem:s5], [sflag:$0x1] =	stream.indirect.gather @!p1 [spmem:s2], $0x80, s4, s8, $0xb8;
	[tilespmem:$0x16440] =	vst v63  }
0x80: {  	_ =	swait.ge [sflag:s18], $0x4000  }
0x81: {  	[sflag:s18] =	ssyncset.done $0x0  }
0x82: {  	[sflag:s18] =	ssyncadd.s32 $0xFFFFC000  }
0x83: {  	[hbm4b:s25+s3] =	stream.linear.scatter [tilespmem:s19], [sflag:$0x5], $0x4000, $0x38;
	[tilespmem:$0x16440] =	vst v63  }
0x84: {  	_ =	swait.ge [sflag:s20], $0x4000  }
0x85: {  	[sflag:s20] =	ssyncset.done $0x0  }
0x86: {  	[sflag:s20] =	ssyncadd.s32 $0xFFFFC000  }
0x87: {  	_ =	swait.ge [sflag:s21], $0x4000  }
0x88: {  	[sflag:s21] =	ssyncset.done $0x0  }
0x89: {  	[sflag:s21] =	ssyncadd.s32 $0xFFFFC000  }
0x8a: {  	_ =	swait.ge [sflag:s22], $0x4000  }
0x8b: {  	[sflag:s22] =	ssyncset.done $0x0  }
0x8c: {  	[sflag:s22] =	ssyncadd.s32 $0xFFFFC000  }
0x8d: {  	_ =	swait.ge [sflag:s23], $0x4000  }
0x8e: {  	s24 =	sadd.s32 $0x1, s24;
	s31 =	rddreg [dreg:$0x6]  }
0x8f: {  	p1 =	sne.s32 s24, s31  }
.Ltmp1:
0x90: {  	_ = 	snop;
	(pc) =	sbr.rel @p1 .LBB2_1-.Ltmp1, $3  }
0x91: {  	_ =	sdelay $0x1  }
0x92: {  	[sflag:s23] =	ssyncset.done $0x0  }
0x93: {  	[sflag:s23] =	ssyncadd.s32 $0xFFFFC000  }
0x94: {  	_ =	sfence.sel $0x180000  }
0x95: {  	[bflag:$0x0] =	sbarrier.arrive $0xFFFF  }
0x96: {  	_ =	strace $0x90000047  }
0x97: {  	[bflag:$0x2] =	sbarrier.arrive $0xFFFF  }
0x98: {  	s0 =	rddreg [dreg:$0x4]  }
0x99: {  	s0 =	sadd.s32 @!p0 $0x100000, s0  }
0x9a: {  	[sflag:s0] =	ssyncadd.tile.s32 @!p0 $0x1;
	_ =	shalt  }
.Lfunc_end2:
_tile_overlayer_lowered:
.L_overlay_start_2:
0x9b: {  	(tag) =	ssettag $0x2  }
0x9c: {  	s0 =	rddreg [dreg:$0x0];
	s2 =	stileid.u32  }
0x9d: {  	s1 =	rddreg [dreg:$0x1];
	p0 =	sne.s32 s2, $0x0  }
0x9e: {  	s3 =	rddreg [dreg:$0x2];
	[bflag:$0x3] =	sbarrier.arrive $0xFFFF;
	s2 =	simm.s32 @!p0 $0x1C06  }
0x9f: {  	[timem:s3], [sflag:s2] =	dma.local @!p0 [hbm:s0], s1  }
0xa0: {  	s0 =	simm.s32 @!p0 $0x6  }
0xa1: {  	_ =	swait.ge @!p0 [sflag:s0], s1  }
0xa2: {  	s1 =	ssub.s32 @!p0 $0x0, s1;
	[sflag:s0] =	ssyncset.done @!p0 $0x0  }
0xa3: {  	[sflag:s0] =	ssyncadd.s32 @!p0 s1  }
0xa4: {  	[bflag:$0x3] =	sbarrier.arrive $0xFFFF  }
0xa5: {  	_ =	shalt  }

</sc_bundles>
